<compile_context>
chip_gen: v7x
topology: tpu7x:2x2x1
jax: 0.10.2.dev20260603
libtpu: 0.0.44.dev20260713+nightly
codegen_flags: <defaults>
</compile_context>

<pallas_src>
import functools

import jax
import jax.numpy as jnp
from jax import lax
from jax.experimental import pallas as pl
from jax.experimental.pallas import tpu as pltpu
from jax.experimental.pallas import tpu_sc as plsc

NUM_FEATURES = 128
VOCAB = 37
N_ATOMS = 100000

_NC = 2
_NS = 16
_NW = _NC * _NS

_CHUNK = 128
_N_FULL = N_ATOMS // _CHUNK
_REM = N_ATOMS - _N_FULL * _CHUNK
_JPW = 25
_SPAN = _JPW * _CHUNK
_NBUF = 6
_LOOK = _NBUF // 2


def _table_body(elec_hbm, we_hbm, nuc_hbm, wls_hbm, b_hbm, out_ref,
                elec_v, we_v, nuc_v, wls_v, b_v, sem):
    pltpu.make_async_copy(elec_hbm, elec_v, sem).start()
    pltpu.make_async_copy(we_hbm, we_v, sem).start()
    pltpu.make_async_copy(nuc_hbm, nuc_v, sem).start()
    pltpu.make_async_copy(wls_hbm, wls_v, sem).start()
    pltpu.make_async_copy(b_hbm, b_v, sem).start()
    pltpu.make_async_copy(elec_hbm, elec_v, sem).wait()
    pltpu.make_async_copy(we_hbm, we_v, sem).wait()
    pltpu.make_async_copy(nuc_hbm, nuc_v, sem).wait()
    pltpu.make_async_copy(wls_hbm, wls_v, sem).wait()
    pltpu.make_async_copy(b_hbm, b_v, sem).wait()
    h = nuc_v[...] + lax.dot_general(
        elec_v[...], we_v[...], (((0,), (0,)), ((), ())),
        preferred_element_type=jnp.float32)
    o = lax.dot_general(
        h, wls_v[...], (((1,), (1,)), ((), ())),
        preferred_element_type=jnp.float32) + b_v[...]
    out_ref[...] = o * jax.nn.sigmoid(o)


def _compute_table(elec, W_elec, nuclare_table, W_ls, b_ls):
    any_spec = pl.BlockSpec(memory_space=pl.ANY)
    return pl.pallas_call(
        _table_body,
        in_specs=[any_spec] * 5,
        out_shape=jax.ShapeDtypeStruct((VOCAB, NUM_FEATURES), jnp.float32),
        scratch_shapes=[
            pltpu.VMEM((16, VOCAB), jnp.float32),
            pltpu.VMEM((16, NUM_FEATURES), jnp.float32),
            pltpu.VMEM((VOCAB, NUM_FEATURES), jnp.float32),
            pltpu.VMEM((NUM_FEATURES, NUM_FEATURES), jnp.float32),
            pltpu.VMEM((1, NUM_FEATURES), jnp.float32),
            pltpu.SemaphoreType.DMA,
        ],
    )(elec.T, W_elec.T, nuclare_table, W_ls, b_ls.reshape(1, NUM_FEATURES))


_mesh = plsc.VectorSubcoreMesh(core_axis_name="c", subcore_axis_name="s")


@functools.partial(
    pl.kernel,
    mesh=_mesh,
    out_type=jax.ShapeDtypeStruct((N_ATOMS, NUM_FEATURES), jnp.float32),
    scratch_types=[
        pltpu.VMEM((_JPW, _CHUNK), jnp.int32),
        pltpu.VMEM_SHARED((VOCAB, NUM_FEATURES), jnp.float32),
    ] + [pltpu.VMEM((_CHUNK, NUM_FEATURES), jnp.float32)] * _NBUF
      + [pltpu.SemaphoreType.DMA] * (2 * _NBUF),
)
def _sc_gather(table_hbm, z3d_hbm, out_hbm, idx_all, table_sp,
               buf0, buf1, buf2, buf3, buf4, buf5,
               g0, g1, g2, g3, g4, g5, s0, s1, s2, s3, s4, s5):
    wid = lax.axis_index("s") * _NC + lax.axis_index("c")
    bufs = [buf0, buf1, buf2, buf3, buf4, buf5]
    gsems = [g0, g1, g2, g3, g4, g5]
    ssems = [s0, s1, s2, s3, s4, s5]

    idx_stage = pltpu.make_async_copy(z3d_hbm.at[wid], idx_all, ssems[5])
    idx_stage.start()

    @pl.when(lax.axis_index("s") == 0)
    def _():
        pltpu.sync_copy(table_hbm, table_sp)

    plsc.subcore_barrier()
    idx_stage.wait()

    def gather_desc(j, b):
        return pltpu.make_async_copy(
            table_sp.at[idx_all.at[j]],
            bufs[b], gsems[b])

    def full_desc(j, b):
        row0 = (wid * _JPW + j) * _CHUNK
        return pltpu.make_async_copy(
            bufs[b], out_hbm.at[pl.ds(row0, _CHUNK)], ssems[b])

    def part_desc(b):
        return pltpu.make_async_copy(
            bufs[b].at[pl.ds(0, _REM)],
            out_hbm.at[pl.ds(_N_FULL * _CHUNK, _REM)], ssems[b])

    def store_op(j, b, op):
        c = wid * _JPW + j

        @pl.when(c < _N_FULL)
        def _():
            op(full_desc(j, b))

        @pl.when(c == _N_FULL)
        def _():
            op(part_desc(b))

    for j in range(_LOOK):
        gather_desc(j, j).start()

    for j in range(_LOOK):
        gather_desc(j + _LOOK, j + _LOOK).start()
        gather_desc(j, j).wait()
        full_desc(j, j).start()

    @pl.loop(0, 3)
    def _steady(gi):
        for b in range(_NBUF):
            j = _LOOK + gi * _NBUF + b
            store_op(j - _LOOK, b, lambda d: d.wait())
            gather_desc(j + _LOOK, b).start()
            jb = (_LOOK + b) % _NBUF
            gather_desc(j, jb).wait()
            store_op(j, jb, lambda d: d.start())

    for j in range(21, 24):
        store_op(j - _LOOK, (j - _LOOK) % _NBUF, lambda d: d.wait())
        if j + _LOOK <= _JPW - 1:
            gather_desc(j + _LOOK, (j + _LOOK) % _NBUF).start()
        gather_desc(j, j % _NBUF).wait()
        store_op(j, j % _NBUF, lambda d: d.start())
    for j in range(21, 24):
        store_op(j, j % _NBUF, lambda d: d.wait())

    gather_desc(_JPW - 1, (_JPW - 1) % _NBUF).wait()
    c_tail = (_JPW - 1) + wid * _JPW

    @pl.when(c_tail < _N_FULL)
    def _():
        pltpu.sync_copy(
            bufs[(_JPW - 1) % _NBUF],
            out_hbm.at[pl.ds(c_tail * _CHUNK, _CHUNK)])


def kernel(z, elec, W_elec, nuclare_table, W_ls, b_ls):
    table = _compute_table(elec, W_elec, nuclare_table, W_ls, b_ls)
    z_pad = jnp.pad(z, (0, _NW * _SPAN - N_ATOMS))
    return _sc_gather(table, z_pad.reshape(_NW, _JPW, _CHUNK))

# --- scband reference (transcript-rebuilt; emitter-appended) ---
"""Pipeline reference for scband-ori-embedding-11690900980371 (READ-ONLY COPY).

The authoritative reference and input builder live on the scoring server;
editing this copy changes nothing except your own understanding.
"""

import jax, jax.numpy as jnp
import numpy as np

_ELEC = np.array([
[0,0,0,0,0,0,0,0,0,0,0,0,0,0,0,0],
[0,1,0,0,0,0,0,0,0,0,0,0,0,0,0,0],
[2,0,0,0,0,0,0,0,0,0,0,0,0,0,0,0],
[2,0,0,1,0,0,0,0,0,0,0,0,0,0,0,0],
[2,0,2,0,0,0,0,0,0,0,0,0,0,0,0,0],
[2,0,2,0,0,1,0,0,0,0,0,0,0,0,0,0],
[2,0,2,0,0,2,0,0,0,0,0,0,0,0,0,0],
[2,0,2,0,0,3,0,0,0,0,0,0,0,0,0,0],
[2,0,2,0,2,2,0,0,0,0,0,0,0,0,0,0],
[2,0,2,0,4,1,0,0,0,0,0,0,0,0,0,0],
[2,0,2,0,6,0,0,0,0,0,0,0,0,0,0,0],
[2,0,2,0,6,0,0,1,0,0,0,0,0,0,0,0],
[2,0,2,0,6,0,2,0,0,0,0,0,0,0,0,0],
[2,0,2,0,6,0,2,0,0,1,0,0,0,0,0,0],
[2,0,2,0,6,0,2,0,0,2,0,0,0,0,0,0],
[2,0,2,0,6,0,2,0,0,3,0,0,0,0,0,0],
[2,0,2,0,6,0,2,0,2,2,0,0,0,0,0,0],
[2,0,2,0,6,0,2,0,4,1,0,0,0,0,0,0],
[2,0,2,0,6,0,2,0,6,0,0,0,0,0,0,0],
[2,0,2,0,6,0,2,0,6,0,0,1,0,0,0,0],
[2,0,2,0,6,0,2,0,6,0,2,0,0,0,0,0],
[2,0,2,0,6,0,2,0,6,0,2,0,0,1,0,0],
[2,0,2,0,6,0,2,0,6,0,2,0,0,2,0,0],
[2,0,2,0,6,0,2,0,6,0,2,0,0,3,0,0],
[2,0,2,0,6,0,2,0,6,0,0,1,0,5,0,0],
[2,0,2,0,6,0,2,0,6,0,2,0,0,5,0,0],
[2,0,2,0,6,0,2,0,6,0,2,0,2,4,0,0],
[2,0,2,0,6,0,2,0,6,0,2,0,4,3,0,0],
[2,0,2,0,6,0,2,0,6,0,2,0,6,2,0,0],
[2,0,2,0,6,0,2,0,6,0,0,1,10,0,0,0],
[2,0,2,0,6,0,2,0,6,0,2,0,10,0,0,0],
[2,0,2,0,6,0,2,0,6,0,2,0,10,0,0,1],
[2,0,2,0,6,0,2,0,6,0,2,0,10,0,0,2],
[2,0,2,0,6,0,2,0,6,0,2,0,10,0,0,3],
[2,0,2,0,6,0,2,0,6,0,2,0,10,0,2,2],
[2,0,2,0,6,0,2,0,6,0,2,0,10,0,4,1],
[2,0,2,0,6,0,2,0,6,0,2,0,10,0,6,0],
], dtype=np.float32)

NUM_FEATURES = 128
MAX_Z = 36
N_ATOMS = 100000


def setup_inputs(seed: int = 0):
    key = jax.random.key(seed)
    k1, k2, k3, k4 = jax.random.split(key, 4)
    # fixed electronic-configuration buffer, normalized by its global max (like get_elec_feature)
    elec = jnp.asarray(_ELEC[:MAX_Z + 1] / _ELEC.max())
    z = jax.random.randint(k1, (N_ATOMS,), 0, MAX_Z + 1, dtype=jnp.int32)
    lim_e = float(np.sqrt(6.0 / (16 + NUM_FEATURES)))
    W_elec = jax.random.uniform(k2, (NUM_FEATURES, 16), minval=-lim_e, maxval=lim_e, dtype=jnp.float32)
    nuclare_table = jax.random.normal(k3, (MAX_Z + 1, NUM_FEATURES), dtype=jnp.float32)
    lim_l = float(np.sqrt(6.0 / (NUM_FEATURES + NUM_FEATURES)))
    W_ls = jax.random.uniform(k4, (NUM_FEATURES, NUM_FEATURES), minval=-lim_l, maxval=lim_l, dtype=jnp.float32)
    b_ls = jnp.zeros((NUM_FEATURES,), dtype=jnp.float32)
    return {"z": z, "elec": elec, "W_elec": W_elec, "nuclare_table": nuclare_table, "W_ls": W_ls, "b_ls": b_ls}


def _act(x):
    # activations(type='silu', num_features) assumed to be SiLU/Swish
    return x * jax.nn.sigmoid(x)


def reference(z, elec, W_elec, nuclare_table, W_ls, b_ls):
    # S0 = act(ls(nuclare_emb(z) + elec_emb(elec[z, :])))
    e = jnp.take(elec, z, axis=0)                      # gather [N, 16]
    nuc = jnp.take(nuclare_table, z, axis=0)           # embedding gather [N, F]
    h = nuc + e @ W_elec.T                             # elec_emb (no bias)
    out = h @ W_ls.T + b_ls                            # ls linear
    return _act(out)

if __name__ == "__main__":
    import jax
    _d = setup_inputs()
    print(jax.jit(kernel)(*tuple(_d.values())))

</pallas_src>

<mosaic_0001>
#map = affine_map<(d0, d1) -> (0, 0)>
#map1 = affine_map<(d0, d1) -> (0, 0, 0)>
module attributes {stable_mosaic.version = 14 : i64} {
  func.func @_sc_gather(%arg0: i32, %arg1: i32, %arg2: memref<37x128xf32, #tpu.memory_space<hbm>>, %arg3: memref<32x25x128xi32, #tpu.memory_space<hbm>>, %arg4: memref<100000x128xf32, #tpu.memory_space<hbm>>, %arg5: memref<25x128xi32, #tpu.memory_space<vmem>>, %arg6: memref<37x128xf32, #tpu.memory_space<vmem_shared>>, %arg7: memref<128x128xf32, #tpu.memory_space<vmem>>, %arg8: memref<128x128xf32, #tpu.memory_space<vmem>>, %arg9: memref<128x128xf32, #tpu.memory_space<vmem>>, %arg10: memref<128x128xf32, #tpu.memory_space<vmem>>, %arg11: memref<128x128xf32, #tpu.memory_space<vmem>>, %arg12: memref<128x128xf32, #tpu.memory_space<vmem>>, %arg13: memref<!tpu.dma_semaphore, #tpu.memory_space<semaphore_mem>>, %arg14: memref<!tpu.dma_semaphore, #tpu.memory_space<semaphore_mem>>, %arg15: memref<!tpu.dma_semaphore, #tpu.memory_space<semaphore_mem>>, %arg16: memref<!tpu.dma_semaphore, #tpu.memory_space<semaphore_mem>>, %arg17: memref<!tpu.dma_semaphore, #tpu.memory_space<semaphore_mem>>, %arg18: memref<!tpu.dma_semaphore, #tpu.memory_space<semaphore_mem>>, %arg19: memref<!tpu.dma_semaphore, #tpu.memory_space<semaphore_mem>>, %arg20: memref<!tpu.dma_semaphore, #tpu.memory_space<semaphore_mem>>, %arg21: memref<!tpu.dma_semaphore, #tpu.memory_space<semaphore_mem>>, %arg22: memref<!tpu.dma_semaphore, #tpu.memory_space<semaphore_mem>>, %arg23: memref<!tpu.dma_semaphore, #tpu.memory_space<semaphore_mem>>, %arg24: memref<!tpu.dma_semaphore, #tpu.memory_space<semaphore_mem>>) attributes {dimension_semantics = [#tpu.dimension_semantics<core_parallel>, #tpu.dimension_semantics<subcore_parallel>], iteration_bounds = array<i64: 2, 16>, scalar_prefetch = 0 : i64, scratch_operands = 20 : i64, tpu.core_type = #tpu.core_type<sc_vector_subcore>, window_params = [{transform_indices = #map}, {transform_indices = #map1}, {transform_indices = #map}]} {
    %mul3A = arith.constant 2 : i32
    %mul3A_0 = arith.muli %arg1, %mul3A : i32
    %add3A = arith.addi %mul3A_0, %arg0 : i32
    %dma_start3A = arith.constant 0 : i32
    %dma_start3A_1 = arith.constant 0 : i32
    %dma_start3A_2 = tpu.memref_slice %arg3[%add3A, %dma_start3A, %dma_start3A_1] : memref<32x25x128xi32, #tpu.memory_space<hbm>> -> memref<1x25x128xi32, #tpu.memory_space<hbm>>
    %dma_start3A_3 = tpu.memref_squeeze %dma_start3A_2 : memref<1x25x128xi32, #tpu.memory_space<hbm>> -> memref<25x128xi32, #tpu.memory_space<hbm>>
    %dma_start3A_4 = arith.constant 0 : i32
    %dma_start3A_5 = arith.constant 0 : i32
    %dma_start3A_6 = tpu.memref_slice %arg3[%add3A, %dma_start3A_4, %dma_start3A_5] : memref<32x25x128xi32, #tpu.memory_space<hbm>> -> memref<1x25x128xi32, #tpu.memory_space<hbm>>
    %dma_start3A_7 = tpu.memref_squeeze %dma_start3A_6 : memref<1x25x128xi32, #tpu.memory_space<hbm>> -> memref<25x128xi32, #tpu.memory_space<hbm>>
    tpu.enqueue_dma source(%dma_start3A_7 : memref<25x128xi32, #tpu.memory_space<hbm>>) target(%arg5 : memref<25x128xi32, #tpu.memory_space<vmem>>) target_semaphore(%arg24 : memref<!tpu.dma_semaphore, #tpu.memory_space<semaphore_mem>>)
    %eq3A = arith.constant 0 : i32
    %eq3A_8 = arith.cmpi eq, %arg1, %eq3A : i32
    %convert_element_type3A = arith.extui %eq3A_8 : i1 to i32
    %cond3A = arith.constant 0 : i32
    %cond3A_9 = arith.cmpi ne, %convert_element_type3A, %cond3A : i32
    scf.if %cond3A_9 {
      "tpu.region"() ({
        %run_scoped3A = tpu.sem_alloc : memref<!tpu.dma_semaphore, #tpu.memory_space<semaphore_mem>>
        tpu.enqueue_dma source(%arg2 : memref<37x128xf32, #tpu.memory_space<hbm>>) target(%arg6 : memref<37x128xf32, #tpu.memory_space<vmem_shared>>) target_semaphore(%run_scoped3A : memref<!tpu.dma_semaphore, #tpu.memory_space<semaphore_mem>>)
        tpu.wait_dma2 semaphore(%run_scoped3A : memref<!tpu.dma_semaphore, #tpu.memory_space<semaphore_mem>>) src(%arg2 : memref<37x128xf32, #tpu.memory_space<hbm>>) dst(%arg6 : memref<37x128xf32, #tpu.memory_space<vmem_shared>>)
        tpu.yield
      }) : () -> ()
    } else {
    }
    %barrier3A = arith.constant 0 : index
    tpu.barrier barrier_id(%barrier3A)
    %dma_wait3A = arith.constant 0 : i32
    %dma_wait3A_10 = arith.constant 0 : i32
    %dma_wait3A_11 = tpu.memref_slice %arg3[%add3A, %dma_wait3A, %dma_wait3A_10] : memref<32x25x128xi32, #tpu.memory_space<hbm>> -> memref<1x25x128xi32, #tpu.memory_space<hbm>>
    %dma_wait3A_12 = tpu.memref_squeeze %dma_wait3A_11 : memref<1x25x128xi32, #tpu.memory_space<hbm>> -> memref<25x128xi32, #tpu.memory_space<hbm>>
    %dma_wait3A_13 = arith.constant 0 : i32
    %dma_wait3A_14 = arith.constant 0 : i32
    %dma_wait3A_15 = tpu.memref_slice %arg3[%add3A, %dma_wait3A_13, %dma_wait3A_14] : memref<32x25x128xi32, #tpu.memory_space<hbm>> -> memref<1x25x128xi32, #tpu.memory_space<hbm>>
    %dma_wait3A_16 = tpu.memref_squeeze %dma_wait3A_15 : memref<1x25x128xi32, #tpu.memory_space<hbm>> -> memref<25x128xi32, #tpu.memory_space<hbm>>
    tpu.wait_dma2 semaphore(%arg24 : memref<!tpu.dma_semaphore, #tpu.memory_space<semaphore_mem>>) src(%dma_wait3A_16 : memref<25x128xi32, #tpu.memory_space<hbm>>) dst(%arg5 : memref<25x128xi32, #tpu.memory_space<vmem>>)
    %dma_start3A_17 = arith.constant 0 : i32
    %dma_start3A_18 = arith.constant 0 : i32
    %dma_start3A_19 = tpu.memref_slice %arg5[%dma_start3A_17, %dma_start3A_18] : memref<25x128xi32, #tpu.memory_space<vmem>> -> memref<1x128xi32, #tpu.memory_space<vmem>>
    %dma_start3A_20 = tpu.memref_squeeze %dma_start3A_19 : memref<1x128xi32, #tpu.memory_space<vmem>> -> memref<128xi32, #tpu.memory_space<vmem>>
    %dma_start3A_21 = arith.constant 0 : i32
    %dma_start3A_22 = arith.constant 0 : i32
    %dma_start3A_23 = tpu.memref_slice %arg6[%dma_start3A_21, %dma_start3A_22] : memref<37x128xf32, #tpu.memory_space<vmem_shared>> -> memref<37x128xf32, #tpu.memory_space<vmem_shared>>
    tpu.enqueue_indirect_dma source(%dma_start3A_23 : memref<37x128xf32, #tpu.memory_space<vmem_shared>>) target(%arg7 : memref<128x128xf32, #tpu.memory_space<vmem>>) offsets(%dma_start3A_20 : memref<128xi32, #tpu.memory_space<vmem>>) semaphore(%arg13 : memref<!tpu.dma_semaphore, #tpu.memory_space<semaphore_mem>>)
    %dma_start3A_24 = arith.constant 1 : i32
    %dma_start3A_25 = arith.constant 0 : i32
    %dma_start3A_26 = tpu.memref_slice %arg5[%dma_start3A_24, %dma_start3A_25] : memref<25x128xi32, #tpu.memory_space<vmem>> -> memref<1x128xi32, #tpu.memory_space<vmem>>
    %dma_start3A_27 = tpu.memref_squeeze %dma_start3A_26 : memref<1x128xi32, #tpu.memory_space<vmem>> -> memref<128xi32, #tpu.memory_space<vmem>>
    %dma_start3A_28 = arith.constant 0 : i32
    %dma_start3A_29 = arith.constant 0 : i32
    %dma_start3A_30 = tpu.memref_slice %arg6[%dma_start3A_28, %dma_start3A_29] : memref<37x128xf32, #tpu.memory_space<vmem_shared>> -> memref<37x128xf32, #tpu.memory_space<vmem_shared>>
    tpu.enqueue_indirect_dma source(%dma_start3A_30 : memref<37x128xf32, #tpu.memory_space<vmem_shared>>) target(%arg8 : memref<128x128xf32, #tpu.memory_space<vmem>>) offsets(%dma_start3A_27 : memref<128xi32, #tpu.memory_space<vmem>>) semaphore(%arg14 : memref<!tpu.dma_semaphore, #tpu.memory_space<semaphore_mem>>)
    %dma_start3A_31 = arith.constant 2 : i32
    %dma_start3A_32 = arith.constant 0 : i32
    %dma_start3A_33 = tpu.memref_slice %arg5[%dma_start3A_31, %dma_start3A_32] : memref<25x128xi32, #tpu.memory_space<vmem>> -> memref<1x128xi32, #tpu.memory_space<vmem>>
    %dma_start3A_34 = tpu.memref_squeeze %dma_start3A_33 : memref<1x128xi32, #tpu.memory_space<vmem>> -> memref<128xi32, #tpu.memory_space<vmem>>
    %dma_start3A_35 = arith.constant 0 : i32
    %dma_start3A_36 = arith.constant 0 : i32
    %dma_start3A_37 = tpu.memref_slice %arg6[%dma_start3A_35, %dma_start3A_36] : memref<37x128xf32, #tpu.memory_space<vmem_shared>> -> memref<37x128xf32, #tpu.memory_space<vmem_shared>>
    tpu.enqueue_indirect_dma source(%dma_start3A_37 : memref<37x128xf32, #tpu.memory_space<vmem_shared>>) target(%arg9 : memref<128x128xf32, #tpu.memory_space<vmem>>) offsets(%dma_start3A_34 : memref<128xi32, #tpu.memory_space<vmem>>) semaphore(%arg15 : memref<!tpu.dma_semaphore, #tpu.memory_space<semaphore_mem>>)
    %dma_start3A_38 = arith.constant 3 : i32
    %dma_start3A_39 = arith.constant 0 : i32
    %dma_start3A_40 = tpu.memref_slice %arg5[%dma_start3A_38, %dma_start3A_39] : memref<25x128xi32, #tpu.memory_space<vmem>> -> memref<1x128xi32, #tpu.memory_space<vmem>>
    %dma_start3A_41 = tpu.memref_squeeze %dma_start3A_40 : memref<1x128xi32, #tpu.memory_space<vmem>> -> memref<128xi32, #tpu.memory_space<vmem>>
    %dma_start3A_42 = arith.constant 0 : i32
    %dma_start3A_43 = arith.constant 0 : i32
    %dma_start3A_44 = tpu.memref_slice %arg6[%dma_start3A_42, %dma_start3A_43] : memref<37x128xf32, #tpu.memory_space<vmem_shared>> -> memref<37x128xf32, #tpu.memory_space<vmem_shared>>
    tpu.enqueue_indirect_dma source(%dma_start3A_44 : memref<37x128xf32, #tpu.memory_space<vmem_shared>>) target(%arg10 : memref<128x128xf32, #tpu.memory_space<vmem>>) offsets(%dma_start3A_41 : memref<128xi32, #tpu.memory_space<vmem>>) semaphore(%arg16 : memref<!tpu.dma_semaphore, #tpu.memory_space<semaphore_mem>>)
    %dma_wait3A_45 = arith.constant 0 : i32
    %dma_wait3A_46 = arith.constant 0 : i32
    %dma_wait3A_47 = tpu.memref_slice %arg5[%dma_wait3A_45, %dma_wait3A_46] : memref<25x128xi32, #tpu.memory_space<vmem>> -> memref<1x128xi32, #tpu.memory_space<vmem>>
    %dma_wait3A_48 = tpu.memref_squeeze %dma_wait3A_47 : memref<1x128xi32, #tpu.memory_space<vmem>> -> memref<128xi32, #tpu.memory_space<vmem>>
    %dma_wait3A_49 = arith.constant 0 : i32
    %dma_wait3A_50 = arith.constant 0 : i32
    %dma_wait3A_51 = tpu.memref_slice %arg6[%dma_wait3A_49, %dma_wait3A_50] : memref<37x128xf32, #tpu.memory_space<vmem_shared>> -> memref<37x128xf32, #tpu.memory_space<vmem_shared>>
    tpu.wait_indirect_dma semaphore(%arg13 : memref<!tpu.dma_semaphore, #tpu.memory_space<semaphore_mem>>) src(%dma_wait3A_51 : memref<37x128xf32, #tpu.memory_space<vmem_shared>>) dst(%arg7 : memref<128x128xf32, #tpu.memory_space<vmem>>)
    %mul3A_52 = arith.constant 25 : i32
    %mul3A_53 = arith.muli %add3A, %mul3A_52 : i32
    %add3A_54 = arith.constant 0 : i32
    %add3A_55 = arith.addi %mul3A_53, %add3A_54 : i32
    %mul3A_56 = arith.constant 128 : i32
    %mul3A_57 = arith.muli %add3A_55, %mul3A_56 : i32
    %dma_start3A_58 = arith.constant 0 : i32
    %dma_start3A_59 = tpu.memref_slice %arg4[%mul3A_57, %dma_start3A_58] : memref<100000x128xf32, #tpu.memory_space<hbm>> -> memref<128x128xf32, #tpu.memory_space<hbm>>
    %dma_start3A_60 = arith.constant 0 : i32
    %dma_start3A_61 = tpu.memref_slice %arg4[%mul3A_57, %dma_start3A_60] : memref<100000x128xf32, #tpu.memory_space<hbm>> -> memref<128x128xf32, #tpu.memory_space<hbm>>
    tpu.enqueue_dma source(%arg7 : memref<128x128xf32, #tpu.memory_space<vmem>>) target(%dma_start3A_61 : memref<128x128xf32, #tpu.memory_space<hbm>>) target_semaphore(%arg19 : memref<!tpu.dma_semaphore, #tpu.memory_space<semaphore_mem>>)
    %dma_start3A_62 = arith.constant 4 : i32
    %dma_start3A_63 = arith.constant 0 : i32
    %dma_start3A_64 = tpu.memref_slice %arg5[%dma_start3A_62, %dma_start3A_63] : memref<25x128xi32, #tpu.memory_space<vmem>> -> memref<1x128xi32, #tpu.memory_space<vmem>>
    %dma_start3A_65 = tpu.memref_squeeze %dma_start3A_64 : memref<1x128xi32, #tpu.memory_space<vmem>> -> memref<128xi32, #tpu.memory_space<vmem>>
    %dma_start3A_66 = arith.constant 0 : i32
    %dma_start3A_67 = arith.constant 0 : i32
    %dma_start3A_68 = tpu.memref_slice %arg6[%dma_start3A_66, %dma_start3A_67] : memref<37x128xf32, #tpu.memory_space<vmem_shared>> -> memref<37x128xf32, #tpu.memory_space<vmem_shared>>
    tpu.enqueue_indirect_dma source(%dma_start3A_68 : memref<37x128xf32, #tpu.memory_space<vmem_shared>>) target(%arg11 : memref<128x128xf32, #tpu.memory_space<vmem>>) offsets(%dma_start3A_65 : memref<128xi32, #tpu.memory_space<vmem>>) semaphore(%arg17 : memref<!tpu.dma_semaphore, #tpu.memory_space<semaphore_mem>>)
    %dma_wait3A_69 = arith.constant 1 : i32
    %dma_wait3A_70 = arith.constant 0 : i32
    %dma_wait3A_71 = tpu.memref_slice %arg5[%dma_wait3A_69, %dma_wait3A_70] : memref<25x128xi32, #tpu.memory_space<vmem>> -> memref<1x128xi32, #tpu.memory_space<vmem>>
    %dma_wait3A_72 = tpu.memref_squeeze %dma_wait3A_71 : memref<1x128xi32, #tpu.memory_space<vmem>> -> memref<128xi32, #tpu.memory_space<vmem>>
    %dma_wait3A_73 = arith.constant 0 : i32
    %dma_wait3A_74 = arith.constant 0 : i32
    %dma_wait3A_75 = tpu.memref_slice %arg6[%dma_wait3A_73, %dma_wait3A_74] : memref<37x128xf32, #tpu.memory_space<vmem_shared>> -> memref<37x128xf32, #tpu.memory_space<vmem_shared>>
    tpu.wait_indirect_dma semaphore(%arg14 : memref<!tpu.dma_semaphore, #tpu.memory_space<semaphore_mem>>) src(%dma_wait3A_75 : memref<37x128xf32, #tpu.memory_space<vmem_shared>>) dst(%arg8 : memref<128x128xf32, #tpu.memory_space<vmem>>)
    %mul3A_76 = arith.constant 25 : i32
    %mul3A_77 = arith.muli %add3A, %mul3A_76 : i32
    %add3A_78 = arith.constant 1 : i32
    %add3A_79 = arith.addi %mul3A_77, %add3A_78 : i32
    %mul3A_80 = arith.constant 128 : i32
    %mul3A_81 = arith.muli %add3A_79, %mul3A_80 : i32
    %dma_start3A_82 = arith.constant 0 : i32
    %dma_start3A_83 = tpu.memref_slice %arg4[%mul3A_81, %dma_start3A_82] : memref<100000x128xf32, #tpu.memory_space<hbm>> -> memref<128x128xf32, #tpu.memory_space<hbm>>
    %dma_start3A_84 = arith.constant 0 : i32
    %dma_start3A_85 = tpu.memref_slice %arg4[%mul3A_81, %dma_start3A_84] : memref<100000x128xf32, #tpu.memory_space<hbm>> -> memref<128x128xf32, #tpu.memory_space<hbm>>
    tpu.enqueue_dma source(%arg8 : memref<128x128xf32, #tpu.memory_space<vmem>>) target(%dma_start3A_85 : memref<128x128xf32, #tpu.memory_space<hbm>>) target_semaphore(%arg20 : memref<!tpu.dma_semaphore, #tpu.memory_space<semaphore_mem>>)
    %dma_start3A_86 = arith.constant 5 : i32
    %dma_start3A_87 = arith.constant 0 : i32
    %dma_start3A_88 = tpu.memref_slice %arg5[%dma_start3A_86, %dma_start3A_87] : memref<25x128xi32, #tpu.memory_space<vmem>> -> memref<1x128xi32, #tpu.memory_space<vmem>>
    %dma_start3A_89 = tpu.memref_squeeze %dma_start3A_88 : memref<1x128xi32, #tpu.memory_space<vmem>> -> memref<128xi32, #tpu.memory_space<vmem>>
    %dma_start3A_90 = arith.constant 0 : i32
    %dma_start3A_91 = arith.constant 0 : i32
    %dma_start3A_92 = tpu.memref_slice %arg6[%dma_start3A_90, %dma_start3A_91] : memref<37x128xf32, #tpu.memory_space<vmem_shared>> -> memref<37x128xf32, #tpu.memory_space<vmem_shared>>
    tpu.enqueue_indirect_dma source(%dma_start3A_92 : memref<37x128xf32, #tpu.memory_space<vmem_shared>>) target(%arg12 : memref<128x128xf32, #tpu.memory_space<vmem>>) offsets(%dma_start3A_89 : memref<128xi32, #tpu.memory_space<vmem>>) semaphore(%arg18 : memref<!tpu.dma_semaphore, #tpu.memory_space<semaphore_mem>>)
    %dma_wait3A_93 = arith.constant 2 : i32
    %dma_wait3A_94 = arith.constant 0 : i32
    %dma_wait3A_95 = tpu.memref_slice %arg5[%dma_wait3A_93, %dma_wait3A_94] : memref<25x128xi32, #tpu.memory_space<vmem>> -> memref<1x128xi32, #tpu.memory_space<vmem>>
    %dma_wait3A_96 = tpu.memref_squeeze %dma_wait3A_95 : memref<1x128xi32, #tpu.memory_space<vmem>> -> memref<128xi32, #tpu.memory_space<vmem>>
    %dma_wait3A_97 = arith.constant 0 : i32
    %dma_wait3A_98 = arith.constant 0 : i32
    %dma_wait3A_99 = tpu.memref_slice %arg6[%dma_wait3A_97, %dma_wait3A_98] : memref<37x128xf32, #tpu.memory_space<vmem_shared>> -> memref<37x128xf32, #tpu.memory_space<vmem_shared>>
    tpu.wait_indirect_dma semaphore(%arg15 : memref<!tpu.dma_semaphore, #tpu.memory_space<semaphore_mem>>) src(%dma_wait3A_99 : memref<37x128xf32, #tpu.memory_space<vmem_shared>>) dst(%arg9 : memref<128x128xf32, #tpu.memory_space<vmem>>)
    %mul3A_100 = arith.constant 25 : i32
    %mul3A_101 = arith.muli %add3A, %mul3A_100 : i32
    %add3A_102 = arith.constant 2 : i32
    %add3A_103 = arith.addi %mul3A_101, %add3A_102 : i32
    %mul3A_104 = arith.constant 128 : i32
    %mul3A_105 = arith.muli %add3A_103, %mul3A_104 : i32
    %dma_start3A_106 = arith.constant 0 : i32
    %dma_start3A_107 = tpu.memref_slice %arg4[%mul3A_105, %dma_start3A_106] : memref<100000x128xf32, #tpu.memory_space<hbm>> -> memref<128x128xf32, #tpu.memory_space<hbm>>
    %dma_start3A_108 = arith.constant 0 : i32
    %dma_start3A_109 = tpu.memref_slice %arg4[%mul3A_105, %dma_start3A_108] : memref<100000x128xf32, #tpu.memory_space<hbm>> -> memref<128x128xf32, #tpu.memory_space<hbm>>
    tpu.enqueue_dma source(%arg9 : memref<128x128xf32, #tpu.memory_space<vmem>>) target(%dma_start3A_109 : memref<128x128xf32, #tpu.memory_space<hbm>>) target_semaphore(%arg21 : memref<!tpu.dma_semaphore, #tpu.memory_space<semaphore_mem>>)
    %scan3A = arith.constant 0 : i32
    %scan3A_110 = arith.constant 3 : i32
    %scan3A_111 = arith.addi %scan3A, %scan3A_110 : i32
    %scan3A_112 = arith.constant 1 : i32
    scf.for %scan3A_283 = %scan3A to %scan3A_111 step %scan3A_112  : i32 {
      %mul3A_284 = arith.constant 1 : i32
      %mul3A_285 = arith.muli %scan3A_283, %mul3A_284 : i32
      %add3A_286 = arith.constant 0 : i32
      %add3A_287 = arith.addi %add3A_286, %mul3A_285 : i32
      %mul3A_288 = arith.constant 6 : i32
      %mul3A_289 = arith.muli %add3A_287, %mul3A_288 : i32
      %add3A_290 = arith.constant 3 : i32
      %add3A_291 = arith.addi %add3A_290, %mul3A_289 : i32
      %add3A_292 = arith.constant 0 : i32
      %add3A_293 = arith.addi %add3A_291, %add3A_292 : i32
      %sub3A = arith.constant 3 : i32
      %sub3A_294 = arith.subi %add3A_293, %sub3A : i32
      %mul3A_295 = arith.constant 25 : i32
      %mul3A_296 = arith.muli %add3A, %mul3A_295 : i32
      %add3A_297 = arith.addi %mul3A_296, %sub3A_294 : i32
      %lt3A_298 = arith.constant 781 : i32
      %lt3A_299 = arith.cmpi slt, %add3A_297, %lt3A_298 : i32
      %convert_element_type3A_300 = arith.extui %lt3A_299 : i1 to i32
      %cond3A_301 = arith.constant 0 : i32
      %cond3A_302 = arith.cmpi ne, %convert_element_type3A_300, %cond3A_301 : i32
      scf.if %cond3A_302 {
        %mul3A_575 = arith.constant 25 : i32
        %mul3A_576 = arith.muli %add3A, %mul3A_575 : i32
        %add3A_577 = arith.addi %mul3A_576, %sub3A_294 : i32
        %mul3A_578 = arith.constant 128 : i32
        %mul3A_579 = arith.muli %add3A_577, %mul3A_578 : i32
        %dma_wait3A_580 = arith.constant 0 : i32
        %dma_wait3A_581 = tpu.memref_slice %arg4[%mul3A_579, %dma_wait3A_580] : memref<100000x128xf32, #tpu.memory_space<hbm>> -> memref<128x128xf32, #tpu.memory_space<hbm>>
        %dma_wait3A_582 = arith.constant 0 : i32
        %dma_wait3A_583 = tpu.memref_slice %arg4[%mul3A_579, %dma_wait3A_582] : memref<100000x128xf32, #tpu.memory_space<hbm>> -> memref<128x128xf32, #tpu.memory_space<hbm>>
        tpu.wait_dma2 semaphore(%arg19 : memref<!tpu.dma_semaphore, #tpu.memory_space<semaphore_mem>>) src(%arg7 : memref<128x128xf32, #tpu.memory_space<vmem>>) dst(%dma_wait3A_583 : memref<128x128xf32, #tpu.memory_space<hbm>>)
      } else {
      }
      %eq3A_303 = arith.constant 781 : i32
      %eq3A_304 = arith.cmpi eq, %add3A_297, %eq3A_303 : i32
      %convert_element_type3A_305 = arith.extui %eq3A_304 : i1 to i32
      %cond3A_306 = arith.constant 0 : i32
      %cond3A_307 = arith.cmpi ne, %convert_element_type3A_305, %cond3A_306 : i32
      scf.if %cond3A_307 {
        %dma_wait3A_575 = arith.constant 0 : i32
        %dma_wait3A_576 = arith.constant 0 : i32
        %dma_wait3A_577 = tpu.memref_slice %arg7[%dma_wait3A_575, %dma_wait3A_576] : memref<128x128xf32, #tpu.memory_space<vmem>> -> memref<32x128xf32, #tpu.memory_space<vmem>>
        %dma_wait3A_578 = arith.constant 99968 : i32
        %dma_wait3A_579 = arith.constant 0 : i32
        %dma_wait3A_580 = tpu.memref_slice %arg4[%dma_wait3A_578, %dma_wait3A_579] : memref<100000x128xf32, #tpu.memory_space<hbm>> -> memref<32x128xf32, #tpu.memory_space<hbm>>
        %dma_wait3A_581 = arith.constant 99968 : i32
        %dma_wait3A_582 = arith.constant 0 : i32
        %dma_wait3A_583 = tpu.memref_slice %arg4[%dma_wait3A_581, %dma_wait3A_582] : memref<100000x128xf32, #tpu.memory_space<hbm>> -> memref<32x128xf32, #tpu.memory_space<hbm>>
        %dma_wait3A_584 = arith.constant 0 : i32
        %dma_wait3A_585 = arith.constant 0 : i32
        %dma_wait3A_586 = tpu.memref_slice %arg7[%dma_wait3A_584, %dma_wait3A_585] : memref<128x128xf32, #tpu.memory_space<vmem>> -> memref<32x128xf32, #tpu.memory_space<vmem>>
        tpu.wait_dma2 semaphore(%arg19 : memref<!tpu.dma_semaphore, #tpu.memory_space<semaphore_mem>>) src(%dma_wait3A_586 : memref<32x128xf32, #tpu.memory_space<vmem>>) dst(%dma_wait3A_583 : memref<32x128xf32, #tpu.memory_space<hbm>>)
      } else {
      }
      %add3A_308 = arith.constant 3 : i32
      %add3A_309 = arith.addi %add3A_293, %add3A_308 : i32
      %dma_start3A_310 = arith.constant 0 : i32
      %dma_start3A_311 = tpu.memref_slice %arg5[%add3A_309, %dma_start3A_310] : memref<25x128xi32, #tpu.memory_space<vmem>> -> memref<1x128xi32, #tpu.memory_space<vmem>>
      %dma_start3A_312 = tpu.memref_squeeze %dma_start3A_311 : memref<1x128xi32, #tpu.memory_space<vmem>> -> memref<128xi32, #tpu.memory_space<vmem>>
      %dma_start3A_313 = arith.constant 0 : i32
      %dma_start3A_314 = arith.constant 0 : i32
      %dma_start3A_315 = tpu.memref_slice %arg6[%dma_start3A_313, %dma_start3A_314] : memref<37x128xf32, #tpu.memory_space<vmem_shared>> -> memref<37x128xf32, #tpu.memory_space<vmem_shared>>
      tpu.enqueue_indirect_dma source(%dma_start3A_315 : memref<37x128xf32, #tpu.memory_space<vmem_shared>>) target(%arg7 : memref<128x128xf32, #tpu.memory_space<vmem>>) offsets(%dma_start3A_312 : memref<128xi32, #tpu.memory_space<vmem>>) semaphore(%arg13 : memref<!tpu.dma_semaphore, #tpu.memory_space<semaphore_mem>>)
      %dma_wait3A_316 = arith.constant 0 : i32
      %dma_wait3A_317 = tpu.memref_slice %arg5[%add3A_293, %dma_wait3A_316] : memref<25x128xi32, #tpu.memory_space<vmem>> -> memref<1x128xi32, #tpu.memory_space<vmem>>
      %dma_wait3A_318 = tpu.memref_squeeze %dma_wait3A_317 : memref<1x128xi32, #tpu.memory_space<vmem>> -> memref<128xi32, #tpu.memory_space<vmem>>
      %dma_wait3A_319 = arith.constant 0 : i32
      %dma_wait3A_320 = arith.constant 0 : i32
      %dma_wait3A_321 = tpu.memref_slice %arg6[%dma_wait3A_319, %dma_wait3A_320] : memref<37x128xf32, #tpu.memory_space<vmem_shared>> -> memref<37x128xf32, #tpu.memory_space<vmem_shared>>
      tpu.wait_indirect_dma semaphore(%arg16 : memref<!tpu.dma_semaphore, #tpu.memory_space<semaphore_mem>>) src(%dma_wait3A_321 : memref<37x128xf32, #tpu.memory_space<vmem_shared>>) dst(%arg10 : memref<128x128xf32, #tpu.memory_space<vmem>>)
      %mul3A_322 = arith.constant 25 : i32
      %mul3A_323 = arith.muli %add3A, %mul3A_322 : i32
      %add3A_324 = arith.addi %mul3A_323, %add3A_293 : i32
      %lt3A_325 = arith.constant 781 : i32
      %lt3A_326 = arith.cmpi slt, %add3A_324, %lt3A_325 : i32
      %convert_element_type3A_327 = arith.extui %lt3A_326 : i1 to i32
      %cond3A_328 = arith.constant 0 : i32
      %cond3A_329 = arith.cmpi ne, %convert_element_type3A_327, %cond3A_328 : i32
      scf.if %cond3A_329 {
        %mul3A_575 = arith.constant 25 : i32
        %mul3A_576 = arith.muli %add3A, %mul3A_575 : i32
        %add3A_577 = arith.addi %mul3A_576, %add3A_293 : i32
        %mul3A_578 = arith.constant 128 : i32
        %mul3A_579 = arith.muli %add3A_577, %mul3A_578 : i32
        %dma_start3A_580 = arith.constant 0 : i32
        %dma_start3A_581 = tpu.memref_slice %arg4[%mul3A_579, %dma_start3A_580] : memref<100000x128xf32, #tpu.memory_space<hbm>> -> memref<128x128xf32, #tpu.memory_space<hbm>>
        %dma_start3A_582 = arith.constant 0 : i32
        %dma_start3A_583 = tpu.memref_slice %arg4[%mul3A_579, %dma_start3A_582] : memref<100000x128xf32, #tpu.memory_space<hbm>> -> memref<128x128xf32, #tpu.memory_space<hbm>>
        tpu.enqueue_dma source(%arg10 : memref<128x128xf32, #tpu.memory_space<vmem>>) target(%dma_start3A_583 : memref<128x128xf32, #tpu.memory_space<hbm>>) target_semaphore(%arg22 : memref<!tpu.dma_semaphore, #tpu.memory_space<semaphore_mem>>)
      } else {
      }
      %eq3A_330 = arith.constant 781 : i32
      %eq3A_331 = arith.cmpi eq, %add3A_324, %eq3A_330 : i32
      %convert_element_type3A_332 = arith.extui %eq3A_331 : i1 to i32
      %cond3A_333 = arith.constant 0 : i32
      %cond3A_334 = arith.cmpi ne, %convert_element_type3A_332, %cond3A_333 : i32
      scf.if %cond3A_334 {
        %dma_start3A_575 = arith.constant 0 : i32
        %dma_start3A_576 = arith.constant 0 : i32
        %dma_start3A_577 = tpu.memref_slice %arg10[%dma_start3A_575, %dma_start3A_576] : memref<128x128xf32, #tpu.memory_space<vmem>> -> memref<32x128xf32, #tpu.memory_space<vmem>>
        %dma_start3A_578 = arith.constant 99968 : i32
        %dma_start3A_579 = arith.constant 0 : i32
        %dma_start3A_580 = tpu.memref_slice %arg4[%dma_start3A_578, %dma_start3A_579] : memref<100000x128xf32, #tpu.memory_space<hbm>> -> memref<32x128xf32, #tpu.memory_space<hbm>>
        %dma_start3A_581 = arith.constant 99968 : i32
        %dma_start3A_582 = arith.constant 0 : i32
        %dma_start3A_583 = tpu.memref_slice %arg4[%dma_start3A_581, %dma_start3A_582] : memref<100000x128xf32, #tpu.memory_space<hbm>> -> memref<32x128xf32, #tpu.memory_space<hbm>>
        %dma_start3A_584 = arith.constant 0 : i32
        %dma_start3A_585 = arith.constant 0 : i32
        %dma_start3A_586 = tpu.memref_slice %arg10[%dma_start3A_584, %dma_start3A_585] : memref<128x128xf32, #tpu.memory_space<vmem>> -> memref<32x128xf32, #tpu.memory_space<vmem>>
        tpu.enqueue_dma source(%dma_start3A_586 : memref<32x128xf32, #tpu.memory_space<vmem>>) target(%dma_start3A_583 : memref<32x128xf32, #tpu.memory_space<hbm>>) target_semaphore(%arg22 : memref<!tpu.dma_semaphore, #tpu.memory_space<semaphore_mem>>)
      } else {
      }
      %mul3A_335 = arith.constant 6 : i32
      %mul3A_336 = arith.muli %add3A_287, %mul3A_335 : i32
      %add3A_337 = arith.constant 3 : i32
      %add3A_338 = arith.addi %add3A_337, %mul3A_336 : i32
      %add3A_339 = arith.constant 1 : i32
      %add3A_340 = arith.addi %add3A_338, %add3A_339 : i32
      %sub3A_341 = arith.constant 3 : i32
      %sub3A_342 = arith.subi %add3A_340, %sub3A_341 : i32
      %mul3A_343 = arith.constant 25 : i32
      %mul3A_344 = arith.muli %add3A, %mul3A_343 : i32
      %add3A_345 = arith.addi %mul3A_344, %sub3A_342 : i32
      %lt3A_346 = arith.constant 781 : i32
      %lt3A_347 = arith.cmpi slt, %add3A_345, %lt3A_346 : i32
      %convert_element_type3A_348 = arith.extui %lt3A_347 : i1 to i32
      %cond3A_349 = arith.constant 0 : i32
      %cond3A_350 = arith.cmpi ne, %convert_element_type3A_348, %cond3A_349 : i32
      scf.if %cond3A_350 {
        %mul3A_575 = arith.constant 25 : i32
        %mul3A_576 = arith.muli %add3A, %mul3A_575 : i32
        %add3A_577 = arith.addi %mul3A_576, %sub3A_342 : i32
        %mul3A_578 = arith.constant 128 : i32
        %mul3A_579 = arith.muli %add3A_577, %mul3A_578 : i32
        %dma_wait3A_580 = arith.constant 0 : i32
        %dma_wait3A_581 = tpu.memref_slice %arg4[%mul3A_579, %dma_wait3A_580] : memref<100000x128xf32, #tpu.memory_space<hbm>> -> memref<128x128xf32, #tpu.memory_space<hbm>>
        %dma_wait3A_582 = arith.constant 0 : i32
        %dma_wait3A_583 = tpu.memref_slice %arg4[%mul3A_579, %dma_wait3A_582] : memref<100000x128xf32, #tpu.memory_space<hbm>> -> memref<128x128xf32, #tpu.memory_space<hbm>>
        tpu.wait_dma2 semaphore(%arg20 : memref<!tpu.dma_semaphore, #tpu.memory_space<semaphore_mem>>) src(%arg8 : memref<128x128xf32, #tpu.memory_space<vmem>>) dst(%dma_wait3A_583 : memref<128x128xf32, #tpu.memory_space<hbm>>)
      } else {
      }
      %eq3A_351 = arith.constant 781 : i32
      %eq3A_352 = arith.cmpi eq, %add3A_345, %eq3A_351 : i32
      %convert_element_type3A_353 = arith.extui %eq3A_352 : i1 to i32
      %cond3A_354 = arith.constant 0 : i32
      %cond3A_355 = arith.cmpi ne, %convert_element_type3A_353, %cond3A_354 : i32
      scf.if %cond3A_355 {
        %dma_wait3A_575 = arith.constant 0 : i32
        %dma_wait3A_576 = arith.constant 0 : i32
        %dma_wait3A_577 = tpu.memref_slice %arg8[%dma_wait3A_575, %dma_wait3A_576] : memref<128x128xf32, #tpu.memory_space<vmem>> -> memref<32x128xf32, #tpu.memory_space<vmem>>
        %dma_wait3A_578 = arith.constant 99968 : i32
        %dma_wait3A_579 = arith.constant 0 : i32
        %dma_wait3A_580 = tpu.memref_slice %arg4[%dma_wait3A_578, %dma_wait3A_579] : memref<100000x128xf32, #tpu.memory_space<hbm>> -> memref<32x128xf32, #tpu.memory_space<hbm>>
        %dma_wait3A_581 = arith.constant 99968 : i32
        %dma_wait3A_582 = arith.constant 0 : i32
        %dma_wait3A_583 = tpu.memref_slice %arg4[%dma_wait3A_581, %dma_wait3A_582] : memref<100000x128xf32, #tpu.memory_space<hbm>> -> memref<32x128xf32, #tpu.memory_space<hbm>>
        %dma_wait3A_584 = arith.constant 0 : i32
        %dma_wait3A_585 = arith.constant 0 : i32
        %dma_wait3A_586 = tpu.memref_slice %arg8[%dma_wait3A_584, %dma_wait3A_585] : memref<128x128xf32, #tpu.memory_space<vmem>> -> memref<32x128xf32, #tpu.memory_space<vmem>>
        tpu.wait_dma2 semaphore(%arg20 : memref<!tpu.dma_semaphore, #tpu.memory_space<semaphore_mem>>) src(%dma_wait3A_586 : memref<32x128xf32, #tpu.memory_space<vmem>>) dst(%dma_wait3A_583 : memref<32x128xf32, #tpu.memory_space<hbm>>)
      } else {
      }
      %add3A_356 = arith.constant 3 : i32
      %add3A_357 = arith.addi %add3A_340, %add3A_356 : i32
      %dma_start3A_358 = arith.constant 0 : i32
      %dma_start3A_359 = tpu.memref_slice %arg5[%add3A_357, %dma_start3A_358] : memref<25x128xi32, #tpu.memory_space<vmem>> -> memref<1x128xi32, #tpu.memory_space<vmem>>
      %dma_start3A_360 = tpu.memref_squeeze %dma_start3A_359 : memref<1x128xi32, #tpu.memory_space<vmem>> -> memref<128xi32, #tpu.memory_space<vmem>>
      %dma_start3A_361 = arith.constant 0 : i32
      %dma_start3A_362 = arith.constant 0 : i32
      %dma_start3A_363 = tpu.memref_slice %arg6[%dma_start3A_361, %dma_start3A_362] : memref<37x128xf32, #tpu.memory_space<vmem_shared>> -> memref<37x128xf32, #tpu.memory_space<vmem_shared>>
      tpu.enqueue_indirect_dma source(%dma_start3A_363 : memref<37x128xf32, #tpu.memory_space<vmem_shared>>) target(%arg8 : memref<128x128xf32, #tpu.memory_space<vmem>>) offsets(%dma_start3A_360 : memref<128xi32, #tpu.memory_space<vmem>>) semaphore(%arg14 : memref<!tpu.dma_semaphore, #tpu.memory_space<semaphore_mem>>)
      %dma_wait3A_364 = arith.constant 0 : i32
      %dma_wait3A_365 = tpu.memref_slice %arg5[%add3A_340, %dma_wait3A_364] : memref<25x128xi32, #tpu.memory_space<vmem>> -> memref<1x128xi32, #tpu.memory_space<vmem>>
      %dma_wait3A_366 = tpu.memref_squeeze %dma_wait3A_365 : memref<1x128xi32, #tpu.memory_space<vmem>> -> memref<128xi32, #tpu.memory_space<vmem>>
      %dma_wait3A_367 = arith.constant 0 : i32
      %dma_wait3A_368 = arith.constant 0 : i32
      %dma_wait3A_369 = tpu.memref_slice %arg6[%dma_wait3A_367, %dma_wait3A_368] : memref<37x128xf32, #tpu.memory_space<vmem_shared>> -> memref<37x128xf32, #tpu.memory_space<vmem_shared>>
      tpu.wait_indirect_dma semaphore(%arg17 : memref<!tpu.dma_semaphore, #tpu.memory_space<semaphore_mem>>) src(%dma_wait3A_369 : memref<37x128xf32, #tpu.memory_space<vmem_shared>>) dst(%arg11 : memref<128x128xf32, #tpu.memory_space<vmem>>)
      %mul3A_370 = arith.constant 25 : i32
      %mul3A_371 = arith.muli %add3A, %mul3A_370 : i32
      %add3A_372 = arith.addi %mul3A_371, %add3A_340 : i32
      %lt3A_373 = arith.constant 781 : i32
      %lt3A_374 = arith.cmpi slt, %add3A_372, %lt3A_373 : i32
      %convert_element_type3A_375 = arith.extui %lt3A_374 : i1 to i32
      %cond3A_376 = arith.constant 0 : i32
      %cond3A_377 = arith.cmpi ne, %convert_element_type3A_375, %cond3A_376 : i32
      scf.if %cond3A_377 {
        %mul3A_575 = arith.constant 25 : i32
        %mul3A_576 = arith.muli %add3A, %mul3A_575 : i32
        %add3A_577 = arith.addi %mul3A_576, %add3A_340 : i32
        %mul3A_578 = arith.constant 128 : i32
        %mul3A_579 = arith.muli %add3A_577, %mul3A_578 : i32
        %dma_start3A_580 = arith.constant 0 : i32
        %dma_start3A_581 = tpu.memref_slice %arg4[%mul3A_579, %dma_start3A_580] : memref<100000x128xf32, #tpu.memory_space<hbm>> -> memref<128x128xf32, #tpu.memory_space<hbm>>
        %dma_start3A_582 = arith.constant 0 : i32
        %dma_start3A_583 = tpu.memref_slice %arg4[%mul3A_579, %dma_start3A_582] : memref<100000x128xf32, #tpu.memory_space<hbm>> -> memref<128x128xf32, #tpu.memory_space<hbm>>
        tpu.enqueue_dma source(%arg11 : memref<128x128xf32, #tpu.memory_space<vmem>>) target(%dma_start3A_583 : memref<128x128xf32, #tpu.memory_space<hbm>>) target_semaphore(%arg23 : memref<!tpu.dma_semaphore, #tpu.memory_space<semaphore_mem>>)
      } else {
      }
      %eq3A_378 = arith.constant 781 : i32
      %eq3A_379 = arith.cmpi eq, %add3A_372, %eq3A_378 : i32
      %convert_element_type3A_380 = arith.extui %eq3A_379 : i1 to i32
      %cond3A_381 = arith.constant 0 : i32
      %cond3A_382 = arith.cmpi ne, %convert_element_type3A_380, %cond3A_381 : i32
      scf.if %cond3A_382 {
        %dma_start3A_575 = arith.constant 0 : i32
        %dma_start3A_576 = arith.constant 0 : i32
        %dma_start3A_577 = tpu.memref_slice %arg11[%dma_start3A_575, %dma_start3A_576] : memref<128x128xf32, #tpu.memory_space<vmem>> -> memref<32x128xf32, #tpu.memory_space<vmem>>
        %dma_start3A_578 = arith.constant 99968 : i32
        %dma_start3A_579 = arith.constant 0 : i32
        %dma_start3A_580 = tpu.memref_slice %arg4[%dma_start3A_578, %dma_start3A_579] : memref<100000x128xf32, #tpu.memory_space<hbm>> -> memref<32x128xf32, #tpu.memory_space<hbm>>
        %dma_start3A_581 = arith.constant 99968 : i32
        %dma_start3A_582 = arith.constant 0 : i32
        %dma_start3A_583 = tpu.memref_slice %arg4[%dma_start3A_581, %dma_start3A_582] : memref<100000x128xf32, #tpu.memory_space<hbm>> -> memref<32x128xf32, #tpu.memory_space<hbm>>
        %dma_start3A_584 = arith.constant 0 : i32
        %dma_start3A_585 = arith.constant 0 : i32
        %dma_start3A_586 = tpu.memref_slice %arg11[%dma_start3A_584, %dma_start3A_585] : memref<128x128xf32, #tpu.memory_space<vmem>> -> memref<32x128xf32, #tpu.memory_space<vmem>>
        tpu.enqueue_dma source(%dma_start3A_586 : memref<32x128xf32, #tpu.memory_space<vmem>>) target(%dma_start3A_583 : memref<32x128xf32, #tpu.memory_space<hbm>>) target_semaphore(%arg23 : memref<!tpu.dma_semaphore, #tpu.memory_space<semaphore_mem>>)
      } else {
      }
      %mul3A_383 = arith.constant 6 : i32
      %mul3A_384 = arith.muli %add3A_287, %mul3A_383 : i32
      %add3A_385 = arith.constant 3 : i32
      %add3A_386 = arith.addi %add3A_385, %mul3A_384 : i32
      %add3A_387 = arith.constant 2 : i32
      %add3A_388 = arith.addi %add3A_386, %add3A_387 : i32
      %sub3A_389 = arith.constant 3 : i32
      %sub3A_390 = arith.subi %add3A_388, %sub3A_389 : i32
      %mul3A_391 = arith.constant 25 : i32
      %mul3A_392 = arith.muli %add3A, %mul3A_391 : i32
      %add3A_393 = arith.addi %mul3A_392, %sub3A_390 : i32
      %lt3A_394 = arith.constant 781 : i32
      %lt3A_395 = arith.cmpi slt, %add3A_393, %lt3A_394 : i32
      %convert_element_type3A_396 = arith.extui %lt3A_395 : i1 to i32
      %cond3A_397 = arith.constant 0 : i32
      %cond3A_398 = arith.cmpi ne, %convert_element_type3A_396, %cond3A_397 : i32
      scf.if %cond3A_398 {
        %mul3A_575 = arith.constant 25 : i32
        %mul3A_576 = arith.muli %add3A, %mul3A_575 : i32
        %add3A_577 = arith.addi %mul3A_576, %sub3A_390 : i32
        %mul3A_578 = arith.constant 128 : i32
        %mul3A_579 = arith.muli %add3A_577, %mul3A_578 : i32
        %dma_wait3A_580 = arith.constant 0 : i32
        %dma_wait3A_581 = tpu.memref_slice %arg4[%mul3A_579, %dma_wait3A_580] : memref<100000x128xf32, #tpu.memory_space<hbm>> -> memref<128x128xf32, #tpu.memory_space<hbm>>
        %dma_wait3A_582 = arith.constant 0 : i32
        %dma_wait3A_583 = tpu.memref_slice %arg4[%mul3A_579, %dma_wait3A_582] : memref<100000x128xf32, #tpu.memory_space<hbm>> -> memref<128x128xf32, #tpu.memory_space<hbm>>
        tpu.wait_dma2 semaphore(%arg21 : memref<!tpu.dma_semaphore, #tpu.memory_space<semaphore_mem>>) src(%arg9 : memref<128x128xf32, #tpu.memory_space<vmem>>) dst(%dma_wait3A_583 : memref<128x128xf32, #tpu.memory_space<hbm>>)
      } else {
      }
      %eq3A_399 = arith.constant 781 : i32
      %eq3A_400 = arith.cmpi eq, %add3A_393, %eq3A_399 : i32
      %convert_element_type3A_401 = arith.extui %eq3A_400 : i1 to i32
      %cond3A_402 = arith.constant 0 : i32
      %cond3A_403 = arith.cmpi ne, %convert_element_type3A_401, %cond3A_402 : i32
      scf.if %cond3A_403 {
        %dma_wait3A_575 = arith.constant 0 : i32
        %dma_wait3A_576 = arith.constant 0 : i32
        %dma_wait3A_577 = tpu.memref_slice %arg9[%dma_wait3A_575, %dma_wait3A_576] : memref<128x128xf32, #tpu.memory_space<vmem>> -> memref<32x128xf32, #tpu.memory_space<vmem>>
        %dma_wait3A_578 = arith.constant 99968 : i32
        %dma_wait3A_579 = arith.constant 0 : i32
        %dma_wait3A_580 = tpu.memref_slice %arg4[%dma_wait3A_578, %dma_wait3A_579] : memref<100000x128xf32, #tpu.memory_space<hbm>> -> memref<32x128xf32, #tpu.memory_space<hbm>>
        %dma_wait3A_581 = arith.constant 99968 : i32
        %dma_wait3A_582 = arith.constant 0 : i32
        %dma_wait3A_583 = tpu.memref_slice %arg4[%dma_wait3A_581, %dma_wait3A_582] : memref<100000x128xf32, #tpu.memory_space<hbm>> -> memref<32x128xf32, #tpu.memory_space<hbm>>
        %dma_wait3A_584 = arith.constant 0 : i32
        %dma_wait3A_585 = arith.constant 0 : i32
        %dma_wait3A_586 = tpu.memref_slice %arg9[%dma_wait3A_584, %dma_wait3A_585] : memref<128x128xf32, #tpu.memory_space<vmem>> -> memref<32x128xf32, #tpu.memory_space<vmem>>
        tpu.wait_dma2 semaphore(%arg21 : memref<!tpu.dma_semaphore, #tpu.memory_space<semaphore_mem>>) src(%dma_wait3A_586 : memref<32x128xf32, #tpu.memory_space<vmem>>) dst(%dma_wait3A_583 : memref<32x128xf32, #tpu.memory_space<hbm>>)
      } else {
      }
      %add3A_404 = arith.constant 3 : i32
      %add3A_405 = arith.addi %add3A_388, %add3A_404 : i32
      %dma_start3A_406 = arith.constant 0 : i32
      %dma_start3A_407 = tpu.memref_slice %arg5[%add3A_405, %dma_start3A_406] : memref<25x128xi32, #tpu.memory_space<vmem>> -> memref<1x128xi32, #tpu.memory_space<vmem>>
      %dma_start3A_408 = tpu.memref_squeeze %dma_start3A_407 : memref<1x128xi32, #tpu.memory_space<vmem>> -> memref<128xi32, #tpu.memory_space<vmem>>
      %dma_start3A_409 = arith.constant 0 : i32
      %dma_start3A_410 = arith.constant 0 : i32
      %dma_start3A_411 = tpu.memref_slice %arg6[%dma_start3A_409, %dma_start3A_410] : memref<37x128xf32, #tpu.memory_space<vmem_shared>> -> memref<37x128xf32, #tpu.memory_space<vmem_shared>>
      tpu.enqueue_indirect_dma source(%dma_start3A_411 : memref<37x128xf32, #tpu.memory_space<vmem_shared>>) target(%arg9 : memref<128x128xf32, #tpu.memory_space<vmem>>) offsets(%dma_start3A_408 : memref<128xi32, #tpu.memory_space<vmem>>) semaphore(%arg15 : memref<!tpu.dma_semaphore, #tpu.memory_space<semaphore_mem>>)
      %dma_wait3A_412 = arith.constant 0 : i32
      %dma_wait3A_413 = tpu.memref_slice %arg5[%add3A_388, %dma_wait3A_412] : memref<25x128xi32, #tpu.memory_space<vmem>> -> memref<1x128xi32, #tpu.memory_space<vmem>>
      %dma_wait3A_414 = tpu.memref_squeeze %dma_wait3A_413 : memref<1x128xi32, #tpu.memory_space<vmem>> -> memref<128xi32, #tpu.memory_space<vmem>>
      %dma_wait3A_415 = arith.constant 0 : i32
      %dma_wait3A_416 = arith.constant 0 : i32
      %dma_wait3A_417 = tpu.memref_slice %arg6[%dma_wait3A_415, %dma_wait3A_416] : memref<37x128xf32, #tpu.memory_space<vmem_shared>> -> memref<37x128xf32, #tpu.memory_space<vmem_shared>>
      tpu.wait_indirect_dma semaphore(%arg18 : memref<!tpu.dma_semaphore, #tpu.memory_space<semaphore_mem>>) src(%dma_wait3A_417 : memref<37x128xf32, #tpu.memory_space<vmem_shared>>) dst(%arg12 : memref<128x128xf32, #tpu.memory_space<vmem>>)
      %mul3A_418 = arith.constant 25 : i32
      %mul3A_419 = arith.muli %add3A, %mul3A_418 : i32
      %add3A_420 = arith.addi %mul3A_419, %add3A_388 : i32
      %lt3A_421 = arith.constant 781 : i32
      %lt3A_422 = arith.cmpi slt, %add3A_420, %lt3A_421 : i32
      %convert_element_type3A_423 = arith.extui %lt3A_422 : i1 to i32
      %cond3A_424 = arith.constant 0 : i32
      %cond3A_425 = arith.cmpi ne, %convert_element_type3A_423, %cond3A_424 : i32
      scf.if %cond3A_425 {
        %mul3A_575 = arith.constant 25 : i32
        %mul3A_576 = arith.muli %add3A, %mul3A_575 : i32
        %add3A_577 = arith.addi %mul3A_576, %add3A_388 : i32
        %mul3A_578 = arith.constant 128 : i32
        %mul3A_579 = arith.muli %add3A_577, %mul3A_578 : i32
        %dma_start3A_580 = arith.constant 0 : i32
        %dma_start3A_581 = tpu.memref_slice %arg4[%mul3A_579, %dma_start3A_580] : memref<100000x128xf32, #tpu.memory_space<hbm>> -> memref<128x128xf32, #tpu.memory_space<hbm>>
        %dma_start3A_582 = arith.constant 0 : i32
        %dma_start3A_583 = tpu.memref_slice %arg4[%mul3A_579, %dma_start3A_582] : memref<100000x128xf32, #tpu.memory_space<hbm>> -> memref<128x128xf32, #tpu.memory_space<hbm>>
        tpu.enqueue_dma source(%arg12 : memref<128x128xf32, #tpu.memory_space<vmem>>) target(%dma_start3A_583 : memref<128x128xf32, #tpu.memory_space<hbm>>) target_semaphore(%arg24 : memref<!tpu.dma_semaphore, #tpu.memory_space<semaphore_mem>>)
      } else {
      }
      %eq3A_426 = arith.constant 781 : i32
      %eq3A_427 = arith.cmpi eq, %add3A_420, %eq3A_426 : i32
      %convert_element_type3A_428 = arith.extui %eq3A_427 : i1 to i32
      %cond3A_429 = arith.constant 0 : i32
      %cond3A_430 = arith.cmpi ne, %convert_element_type3A_428, %cond3A_429 : i32
      scf.if %cond3A_430 {
        %dma_start3A_575 = arith.constant 0 : i32
        %dma_start3A_576 = arith.constant 0 : i32
        %dma_start3A_577 = tpu.memref_slice %arg12[%dma_start3A_575, %dma_start3A_576] : memref<128x128xf32, #tpu.memory_space<vmem>> -> memref<32x128xf32, #tpu.memory_space<vmem>>
        %dma_start3A_578 = arith.constant 99968 : i32
        %dma_start3A_579 = arith.constant 0 : i32
        %dma_start3A_580 = tpu.memref_slice %arg4[%dma_start3A_578, %dma_start3A_579] : memref<100000x128xf32, #tpu.memory_space<hbm>> -> memref<32x128xf32, #tpu.memory_space<hbm>>
        %dma_start3A_581 = arith.constant 99968 : i32
        %dma_start3A_582 = arith.constant 0 : i32
        %dma_start3A_583 = tpu.memref_slice %arg4[%dma_start3A_581, %dma_start3A_582] : memref<100000x128xf32, #tpu.memory_space<hbm>> -> memref<32x128xf32, #tpu.memory_space<hbm>>
        %dma_start3A_584 = arith.constant 0 : i32
        %dma_start3A_585 = arith.constant 0 : i32
        %dma_start3A_586 = tpu.memref_slice %arg12[%dma_start3A_584, %dma_start3A_585] : memref<128x128xf32, #tpu.memory_space<vmem>> -> memref<32x128xf32, #tpu.memory_space<vmem>>
        tpu.enqueue_dma source(%dma_start3A_586 : memref<32x128xf32, #tpu.memory_space<vmem>>) target(%dma_start3A_583 : memref<32x128xf32, #tpu.memory_space<hbm>>) target_semaphore(%arg24 : memref<!tpu.dma_semaphore, #tpu.memory_space<semaphore_mem>>)
      } else {
      }
      %mul3A_431 = arith.constant 6 : i32
      %mul3A_432 = arith.muli %add3A_287, %mul3A_431 : i32
      %add3A_433 = arith.constant 3 : i32
      %add3A_434 = arith.addi %add3A_433, %mul3A_432 : i32
      %add3A_435 = arith.constant 3 : i32
      %add3A_436 = arith.addi %add3A_434, %add3A_435 : i32
      %sub3A_437 = arith.constant 3 : i32
      %sub3A_438 = arith.subi %add3A_436, %sub3A_437 : i32
      %mul3A_439 = arith.constant 25 : i32
      %mul3A_440 = arith.muli %add3A, %mul3A_439 : i32
      %add3A_441 = arith.addi %mul3A_440, %sub3A_438 : i32
      %lt3A_442 = arith.constant 781 : i32
      %lt3A_443 = arith.cmpi slt, %add3A_441, %lt3A_442 : i32
      %convert_element_type3A_444 = arith.extui %lt3A_443 : i1 to i32
      %cond3A_445 = arith.constant 0 : i32
      %cond3A_446 = arith.cmpi ne, %convert_element_type3A_444, %cond3A_445 : i32
      scf.if %cond3A_446 {
        %mul3A_575 = arith.constant 25 : i32
        %mul3A_576 = arith.muli %add3A, %mul3A_575 : i32
        %add3A_577 = arith.addi %mul3A_576, %sub3A_438 : i32
        %mul3A_578 = arith.constant 128 : i32
        %mul3A_579 = arith.muli %add3A_577, %mul3A_578 : i32
        %dma_wait3A_580 = arith.constant 0 : i32
        %dma_wait3A_581 = tpu.memref_slice %arg4[%mul3A_579, %dma_wait3A_580] : memref<100000x128xf32, #tpu.memory_space<hbm>> -> memref<128x128xf32, #tpu.memory_space<hbm>>
        %dma_wait3A_582 = arith.constant 0 : i32
        %dma_wait3A_583 = tpu.memref_slice %arg4[%mul3A_579, %dma_wait3A_582] : memref<100000x128xf32, #tpu.memory_space<hbm>> -> memref<128x128xf32, #tpu.memory_space<hbm>>
        tpu.wait_dma2 semaphore(%arg22 : memref<!tpu.dma_semaphore, #tpu.memory_space<semaphore_mem>>) src(%arg10 : memref<128x128xf32, #tpu.memory_space<vmem>>) dst(%dma_wait3A_583 : memref<128x128xf32, #tpu.memory_space<hbm>>)
      } else {
      }
      %eq3A_447 = arith.constant 781 : i32
      %eq3A_448 = arith.cmpi eq, %add3A_441, %eq3A_447 : i32
      %convert_element_type3A_449 = arith.extui %eq3A_448 : i1 to i32
      %cond3A_450 = arith.constant 0 : i32
      %cond3A_451 = arith.cmpi ne, %convert_element_type3A_449, %cond3A_450 : i32
      scf.if %cond3A_451 {
        %dma_wait3A_575 = arith.constant 0 : i32
        %dma_wait3A_576 = arith.constant 0 : i32
        %dma_wait3A_577 = tpu.memref_slice %arg10[%dma_wait3A_575, %dma_wait3A_576] : memref<128x128xf32, #tpu.memory_space<vmem>> -> memref<32x128xf32, #tpu.memory_space<vmem>>
        %dma_wait3A_578 = arith.constant 99968 : i32
        %dma_wait3A_579 = arith.constant 0 : i32
        %dma_wait3A_580 = tpu.memref_slice %arg4[%dma_wait3A_578, %dma_wait3A_579] : memref<100000x128xf32, #tpu.memory_space<hbm>> -> memref<32x128xf32, #tpu.memory_space<hbm>>
        %dma_wait3A_581 = arith.constant 99968 : i32
        %dma_wait3A_582 = arith.constant 0 : i32
        %dma_wait3A_583 = tpu.memref_slice %arg4[%dma_wait3A_581, %dma_wait3A_582] : memref<100000x128xf32, #tpu.memory_space<hbm>> -> memref<32x128xf32, #tpu.memory_space<hbm>>
        %dma_wait3A_584 = arith.constant 0 : i32
        %dma_wait3A_585 = arith.constant 0 : i32
        %dma_wait3A_586 = tpu.memref_slice %arg10[%dma_wait3A_584, %dma_wait3A_585] : memref<128x128xf32, #tpu.memory_space<vmem>> -> memref<32x128xf32, #tpu.memory_space<vmem>>
        tpu.wait_dma2 semaphore(%arg22 : memref<!tpu.dma_semaphore, #tpu.memory_space<semaphore_mem>>) src(%dma_wait3A_586 : memref<32x128xf32, #tpu.memory_space<vmem>>) dst(%dma_wait3A_583 : memref<32x128xf32, #tpu.memory_space<hbm>>)
      } else {
      }
      %add3A_452 = arith.constant 3 : i32
      %add3A_453 = arith.addi %add3A_436, %add3A_452 : i32
      %dma_start3A_454 = arith.constant 0 : i32
      %dma_start3A_455 = tpu.memref_slice %arg5[%add3A_453, %dma_start3A_454] : memref<25x128xi32, #tpu.memory_space<vmem>> -> memref<1x128xi32, #tpu.memory_space<vmem>>
      %dma_start3A_456 = tpu.memref_squeeze %dma_start3A_455 : memref<1x128xi32, #tpu.memory_space<vmem>> -> memref<128xi32, #tpu.memory_space<vmem>>
      %dma_start3A_457 = arith.constant 0 : i32
      %dma_start3A_458 = arith.constant 0 : i32
      %dma_start3A_459 = tpu.memref_slice %arg6[%dma_start3A_457, %dma_start3A_458] : memref<37x128xf32, #tpu.memory_space<vmem_shared>> -> memref<37x128xf32, #tpu.memory_space<vmem_shared>>
      tpu.enqueue_indirect_dma source(%dma_start3A_459 : memref<37x128xf32, #tpu.memory_space<vmem_shared>>) target(%arg10 : memref<128x128xf32, #tpu.memory_space<vmem>>) offsets(%dma_start3A_456 : memref<128xi32, #tpu.memory_space<vmem>>) semaphore(%arg16 : memref<!tpu.dma_semaphore, #tpu.memory_space<semaphore_mem>>)
      %dma_wait3A_460 = arith.constant 0 : i32
      %dma_wait3A_461 = tpu.memref_slice %arg5[%add3A_436, %dma_wait3A_460] : memref<25x128xi32, #tpu.memory_space<vmem>> -> memref<1x128xi32, #tpu.memory_space<vmem>>
      %dma_wait3A_462 = tpu.memref_squeeze %dma_wait3A_461 : memref<1x128xi32, #tpu.memory_space<vmem>> -> memref<128xi32, #tpu.memory_space<vmem>>
      %dma_wait3A_463 = arith.constant 0 : i32
      %dma_wait3A_464 = arith.constant 0 : i32
      %dma_wait3A_465 = tpu.memref_slice %arg6[%dma_wait3A_463, %dma_wait3A_464] : memref<37x128xf32, #tpu.memory_space<vmem_shared>> -> memref<37x128xf32, #tpu.memory_space<vmem_shared>>
      tpu.wait_indirect_dma semaphore(%arg13 : memref<!tpu.dma_semaphore, #tpu.memory_space<semaphore_mem>>) src(%dma_wait3A_465 : memref<37x128xf32, #tpu.memory_space<vmem_shared>>) dst(%arg7 : memref<128x128xf32, #tpu.memory_space<vmem>>)
      %mul3A_466 = arith.constant 25 : i32
      %mul3A_467 = arith.muli %add3A, %mul3A_466 : i32
      %add3A_468 = arith.addi %mul3A_467, %add3A_436 : i32
      %lt3A_469 = arith.constant 781 : i32
      %lt3A_470 = arith.cmpi slt, %add3A_468, %lt3A_469 : i32
      %convert_element_type3A_471 = arith.extui %lt3A_470 : i1 to i32
      %cond3A_472 = arith.constant 0 : i32
      %cond3A_473 = arith.cmpi ne, %convert_element_type3A_471, %cond3A_472 : i32
      scf.if %cond3A_473 {
        %mul3A_575 = arith.constant 25 : i32
        %mul3A_576 = arith.muli %add3A, %mul3A_575 : i32
        %add3A_577 = arith.addi %mul3A_576, %add3A_436 : i32
        %mul3A_578 = arith.constant 128 : i32
        %mul3A_579 = arith.muli %add3A_577, %mul3A_578 : i32
        %dma_start3A_580 = arith.constant 0 : i32
        %dma_start3A_581 = tpu.memref_slice %arg4[%mul3A_579, %dma_start3A_580] : memref<100000x128xf32, #tpu.memory_space<hbm>> -> memref<128x128xf32, #tpu.memory_space<hbm>>
        %dma_start3A_582 = arith.constant 0 : i32
        %dma_start3A_583 = tpu.memref_slice %arg4[%mul3A_579, %dma_start3A_582] : memref<100000x128xf32, #tpu.memory_space<hbm>> -> memref<128x128xf32, #tpu.memory_space<hbm>>
        tpu.enqueue_dma source(%arg7 : memref<128x128xf32, #tpu.memory_space<vmem>>) target(%dma_start3A_583 : memref<128x128xf32, #tpu.memory_space<hbm>>) target_semaphore(%arg19 : memref<!tpu.dma_semaphore, #tpu.memory_space<semaphore_mem>>)
      } else {
      }
      %eq3A_474 = arith.constant 781 : i32
      %eq3A_475 = arith.cmpi eq, %add3A_468, %eq3A_474 : i32
      %convert_element_type3A_476 = arith.extui %eq3A_475 : i1 to i32
      %cond3A_477 = arith.constant 0 : i32
      %cond3A_478 = arith.cmpi ne, %convert_element_type3A_476, %cond3A_477 : i32
      scf.if %cond3A_478 {
        %dma_start3A_575 = arith.constant 0 : i32
        %dma_start3A_576 = arith.constant 0 : i32
        %dma_start3A_577 = tpu.memref_slice %arg7[%dma_start3A_575, %dma_start3A_576] : memref<128x128xf32, #tpu.memory_space<vmem>> -> memref<32x128xf32, #tpu.memory_space<vmem>>
        %dma_start3A_578 = arith.constant 99968 : i32
        %dma_start3A_579 = arith.constant 0 : i32
        %dma_start3A_580 = tpu.memref_slice %arg4[%dma_start3A_578, %dma_start3A_579] : memref<100000x128xf32, #tpu.memory_space<hbm>> -> memref<32x128xf32, #tpu.memory_space<hbm>>
        %dma_start3A_581 = arith.constant 99968 : i32
        %dma_start3A_582 = arith.constant 0 : i32
        %dma_start3A_583 = tpu.memref_slice %arg4[%dma_start3A_581, %dma_start3A_582] : memref<100000x128xf32, #tpu.memory_space<hbm>> -> memref<32x128xf32, #tpu.memory_space<hbm>>
        %dma_start3A_584 = arith.constant 0 : i32
        %dma_start3A_585 = arith.constant 0 : i32
        %dma_start3A_586 = tpu.memref_slice %arg7[%dma_start3A_584, %dma_start3A_585] : memref<128x128xf32, #tpu.memory_space<vmem>> -> memref<32x128xf32, #tpu.memory_space<vmem>>
        tpu.enqueue_dma source(%dma_start3A_586 : memref<32x128xf32, #tpu.memory_space<vmem>>) target(%dma_start3A_583 : memref<32x128xf32, #tpu.memory_space<hbm>>) target_semaphore(%arg19 : memref<!tpu.dma_semaphore, #tpu.memory_space<semaphore_mem>>)
      } else {
      }
      %mul3A_479 = arith.constant 6 : i32
      %mul3A_480 = arith.muli %add3A_287, %mul3A_479 : i32
      %add3A_481 = arith.constant 3 : i32
      %add3A_482 = arith.addi %add3A_481, %mul3A_480 : i32
      %add3A_483 = arith.constant 4 : i32
      %add3A_484 = arith.addi %add3A_482, %add3A_483 : i32
      %sub3A_485 = arith.constant 3 : i32
      %sub3A_486 = arith.subi %add3A_484, %sub3A_485 : i32
      %mul3A_487 = arith.constant 25 : i32
      %mul3A_488 = arith.muli %add3A, %mul3A_487 : i32
      %add3A_489 = arith.addi %mul3A_488, %sub3A_486 : i32
      %lt3A_490 = arith.constant 781 : i32
      %lt3A_491 = arith.cmpi slt, %add3A_489, %lt3A_490 : i32
      %convert_element_type3A_492 = arith.extui %lt3A_491 : i1 to i32
      %cond3A_493 = arith.constant 0 : i32
      %cond3A_494 = arith.cmpi ne, %convert_element_type3A_492, %cond3A_493 : i32
      scf.if %cond3A_494 {
        %mul3A_575 = arith.constant 25 : i32
        %mul3A_576 = arith.muli %add3A, %mul3A_575 : i32
        %add3A_577 = arith.addi %mul3A_576, %sub3A_486 : i32
        %mul3A_578 = arith.constant 128 : i32
        %mul3A_579 = arith.muli %add3A_577, %mul3A_578 : i32
        %dma_wait3A_580 = arith.constant 0 : i32
        %dma_wait3A_581 = tpu.memref_slice %arg4[%mul3A_579, %dma_wait3A_580] : memref<100000x128xf32, #tpu.memory_space<hbm>> -> memref<128x128xf32, #tpu.memory_space<hbm>>
        %dma_wait3A_582 = arith.constant 0 : i32
        %dma_wait3A_583 = tpu.memref_slice %arg4[%mul3A_579, %dma_wait3A_582] : memref<100000x128xf32, #tpu.memory_space<hbm>> -> memref<128x128xf32, #tpu.memory_space<hbm>>
        tpu.wait_dma2 semaphore(%arg23 : memref<!tpu.dma_semaphore, #tpu.memory_space<semaphore_mem>>) src(%arg11 : memref<128x128xf32, #tpu.memory_space<vmem>>) dst(%dma_wait3A_583 : memref<128x128xf32, #tpu.memory_space<hbm>>)
      } else {
      }
      %eq3A_495 = arith.constant 781 : i32
      %eq3A_496 = arith.cmpi eq, %add3A_489, %eq3A_495 : i32
      %convert_element_type3A_497 = arith.extui %eq3A_496 : i1 to i32
      %cond3A_498 = arith.constant 0 : i32
      %cond3A_499 = arith.cmpi ne, %convert_element_type3A_497, %cond3A_498 : i32
      scf.if %cond3A_499 {
        %dma_wait3A_575 = arith.constant 0 : i32
        %dma_wait3A_576 = arith.constant 0 : i32
        %dma_wait3A_577 = tpu.memref_slice %arg11[%dma_wait3A_575, %dma_wait3A_576] : memref<128x128xf32, #tpu.memory_space<vmem>> -> memref<32x128xf32, #tpu.memory_space<vmem>>
        %dma_wait3A_578 = arith.constant 99968 : i32
        %dma_wait3A_579 = arith.constant 0 : i32
        %dma_wait3A_580 = tpu.memref_slice %arg4[%dma_wait3A_578, %dma_wait3A_579] : memref<100000x128xf32, #tpu.memory_space<hbm>> -> memref<32x128xf32, #tpu.memory_space<hbm>>
        %dma_wait3A_581 = arith.constant 99968 : i32
        %dma_wait3A_582 = arith.constant 0 : i32
        %dma_wait3A_583 = tpu.memref_slice %arg4[%dma_wait3A_581, %dma_wait3A_582] : memref<100000x128xf32, #tpu.memory_space<hbm>> -> memref<32x128xf32, #tpu.memory_space<hbm>>
        %dma_wait3A_584 = arith.constant 0 : i32
        %dma_wait3A_585 = arith.constant 0 : i32
        %dma_wait3A_586 = tpu.memref_slice %arg11[%dma_wait3A_584, %dma_wait3A_585] : memref<128x128xf32, #tpu.memory_space<vmem>> -> memref<32x128xf32, #tpu.memory_space<vmem>>
        tpu.wait_dma2 semaphore(%arg23 : memref<!tpu.dma_semaphore, #tpu.memory_space<semaphore_mem>>) src(%dma_wait3A_586 : memref<32x128xf32, #tpu.memory_space<vmem>>) dst(%dma_wait3A_583 : memref<32x128xf32, #tpu.memory_space<hbm>>)
      } else {
      }
      %add3A_500 = arith.constant 3 : i32
      %add3A_501 = arith.addi %add3A_484, %add3A_500 : i32
      %dma_start3A_502 = arith.constant 0 : i32
      %dma_start3A_503 = tpu.memref_slice %arg5[%add3A_501, %dma_start3A_502] : memref<25x128xi32, #tpu.memory_space<vmem>> -> memref<1x128xi32, #tpu.memory_space<vmem>>
      %dma_start3A_504 = tpu.memref_squeeze %dma_start3A_503 : memref<1x128xi32, #tpu.memory_space<vmem>> -> memref<128xi32, #tpu.memory_space<vmem>>
      %dma_start3A_505 = arith.constant 0 : i32
      %dma_start3A_506 = arith.constant 0 : i32
      %dma_start3A_507 = tpu.memref_slice %arg6[%dma_start3A_505, %dma_start3A_506] : memref<37x128xf32, #tpu.memory_space<vmem_shared>> -> memref<37x128xf32, #tpu.memory_space<vmem_shared>>
      tpu.enqueue_indirect_dma source(%dma_start3A_507 : memref<37x128xf32, #tpu.memory_space<vmem_shared>>) target(%arg11 : memref<128x128xf32, #tpu.memory_space<vmem>>) offsets(%dma_start3A_504 : memref<128xi32, #tpu.memory_space<vmem>>) semaphore(%arg17 : memref<!tpu.dma_semaphore, #tpu.memory_space<semaphore_mem>>)
      %dma_wait3A_508 = arith.constant 0 : i32
      %dma_wait3A_509 = tpu.memref_slice %arg5[%add3A_484, %dma_wait3A_508] : memref<25x128xi32, #tpu.memory_space<vmem>> -> memref<1x128xi32, #tpu.memory_space<vmem>>
      %dma_wait3A_510 = tpu.memref_squeeze %dma_wait3A_509 : memref<1x128xi32, #tpu.memory_space<vmem>> -> memref<128xi32, #tpu.memory_space<vmem>>
      %dma_wait3A_511 = arith.constant 0 : i32
      %dma_wait3A_512 = arith.constant 0 : i32
      %dma_wait3A_513 = tpu.memref_slice %arg6[%dma_wait3A_511, %dma_wait3A_512] : memref<37x128xf32, #tpu.memory_space<vmem_shared>> -> memref<37x128xf32, #tpu.memory_space<vmem_shared>>
      tpu.wait_indirect_dma semaphore(%arg14 : memref<!tpu.dma_semaphore, #tpu.memory_space<semaphore_mem>>) src(%dma_wait3A_513 : memref<37x128xf32, #tpu.memory_space<vmem_shared>>) dst(%arg8 : memref<128x128xf32, #tpu.memory_space<vmem>>)
      %mul3A_514 = arith.constant 25 : i32
      %mul3A_515 = arith.muli %add3A, %mul3A_514 : i32
      %add3A_516 = arith.addi %mul3A_515, %add3A_484 : i32
      %lt3A_517 = arith.constant 781 : i32
      %lt3A_518 = arith.cmpi slt, %add3A_516, %lt3A_517 : i32
      %convert_element_type3A_519 = arith.extui %lt3A_518 : i1 to i32
      %cond3A_520 = arith.constant 0 : i32
      %cond3A_521 = arith.cmpi ne, %convert_element_type3A_519, %cond3A_520 : i32
      scf.if %cond3A_521 {
        %mul3A_575 = arith.constant 25 : i32
        %mul3A_576 = arith.muli %add3A, %mul3A_575 : i32
        %add3A_577 = arith.addi %mul3A_576, %add3A_484 : i32
        %mul3A_578 = arith.constant 128 : i32
        %mul3A_579 = arith.muli %add3A_577, %mul3A_578 : i32
        %dma_start3A_580 = arith.constant 0 : i32
        %dma_start3A_581 = tpu.memref_slice %arg4[%mul3A_579, %dma_start3A_580] : memref<100000x128xf32, #tpu.memory_space<hbm>> -> memref<128x128xf32, #tpu.memory_space<hbm>>
        %dma_start3A_582 = arith.constant 0 : i32
        %dma_start3A_583 = tpu.memref_slice %arg4[%mul3A_579, %dma_start3A_582] : memref<100000x128xf32, #tpu.memory_space<hbm>> -> memref<128x128xf32, #tpu.memory_space<hbm>>
        tpu.enqueue_dma source(%arg8 : memref<128x128xf32, #tpu.memory_space<vmem>>) target(%dma_start3A_583 : memref<128x128xf32, #tpu.memory_space<hbm>>) target_semaphore(%arg20 : memref<!tpu.dma_semaphore, #tpu.memory_space<semaphore_mem>>)
      } else {
      }
      %eq3A_522 = arith.constant 781 : i32
      %eq3A_523 = arith.cmpi eq, %add3A_516, %eq3A_522 : i32
      %convert_element_type3A_524 = arith.extui %eq3A_523 : i1 to i32
      %cond3A_525 = arith.constant 0 : i32
      %cond3A_526 = arith.cmpi ne, %convert_element_type3A_524, %cond3A_525 : i32
      scf.if %cond3A_526 {
        %dma_start3A_575 = arith.constant 0 : i32
        %dma_start3A_576 = arith.constant 0 : i32
        %dma_start3A_577 = tpu.memref_slice %arg8[%dma_start3A_575, %dma_start3A_576] : memref<128x128xf32, #tpu.memory_space<vmem>> -> memref<32x128xf32, #tpu.memory_space<vmem>>
        %dma_start3A_578 = arith.constant 99968 : i32
        %dma_start3A_579 = arith.constant 0 : i32
        %dma_start3A_580 = tpu.memref_slice %arg4[%dma_start3A_578, %dma_start3A_579] : memref<100000x128xf32, #tpu.memory_space<hbm>> -> memref<32x128xf32, #tpu.memory_space<hbm>>
        %dma_start3A_581 = arith.constant 99968 : i32
        %dma_start3A_582 = arith.constant 0 : i32
        %dma_start3A_583 = tpu.memref_slice %arg4[%dma_start3A_581, %dma_start3A_582] : memref<100000x128xf32, #tpu.memory_space<hbm>> -> memref<32x128xf32, #tpu.memory_space<hbm>>
        %dma_start3A_584 = arith.constant 0 : i32
        %dma_start3A_585 = arith.constant 0 : i32
        %dma_start3A_586 = tpu.memref_slice %arg8[%dma_start3A_584, %dma_start3A_585] : memref<128x128xf32, #tpu.memory_space<vmem>> -> memref<32x128xf32, #tpu.memory_space<vmem>>
        tpu.enqueue_dma source(%dma_start3A_586 : memref<32x128xf32, #tpu.memory_space<vmem>>) target(%dma_start3A_583 : memref<32x128xf32, #tpu.memory_space<hbm>>) target_semaphore(%arg20 : memref<!tpu.dma_semaphore, #tpu.memory_space<semaphore_mem>>)
      } else {
      }
      %mul3A_527 = arith.constant 6 : i32
      %mul3A_528 = arith.muli %add3A_287, %mul3A_527 : i32
      %add3A_529 = arith.constant 3 : i32
      %add3A_530 = arith.addi %add3A_529, %mul3A_528 : i32
      %add3A_531 = arith.constant 5 : i32
      %add3A_532 = arith.addi %add3A_530, %add3A_531 : i32
      %sub3A_533 = arith.constant 3 : i32
      %sub3A_534 = arith.subi %add3A_532, %sub3A_533 : i32
      %mul3A_535 = arith.constant 25 : i32
      %mul3A_536 = arith.muli %add3A, %mul3A_535 : i32
      %add3A_537 = arith.addi %mul3A_536, %sub3A_534 : i32
      %lt3A_538 = arith.constant 781 : i32
      %lt3A_539 = arith.cmpi slt, %add3A_537, %lt3A_538 : i32
      %convert_element_type3A_540 = arith.extui %lt3A_539 : i1 to i32
      %cond3A_541 = arith.constant 0 : i32
      %cond3A_542 = arith.cmpi ne, %convert_element_type3A_540, %cond3A_541 : i32
      scf.if %cond3A_542 {
        %mul3A_575 = arith.constant 25 : i32
        %mul3A_576 = arith.muli %add3A, %mul3A_575 : i32
        %add3A_577 = arith.addi %mul3A_576, %sub3A_534 : i32
        %mul3A_578 = arith.constant 128 : i32
        %mul3A_579 = arith.muli %add3A_577, %mul3A_578 : i32
        %dma_wait3A_580 = arith.constant 0 : i32
        %dma_wait3A_581 = tpu.memref_slice %arg4[%mul3A_579, %dma_wait3A_580] : memref<100000x128xf32, #tpu.memory_space<hbm>> -> memref<128x128xf32, #tpu.memory_space<hbm>>
        %dma_wait3A_582 = arith.constant 0 : i32
        %dma_wait3A_583 = tpu.memref_slice %arg4[%mul3A_579, %dma_wait3A_582] : memref<100000x128xf32, #tpu.memory_space<hbm>> -> memref<128x128xf32, #tpu.memory_space<hbm>>
        tpu.wait_dma2 semaphore(%arg24 : memref<!tpu.dma_semaphore, #tpu.memory_space<semaphore_mem>>) src(%arg12 : memref<128x128xf32, #tpu.memory_space<vmem>>) dst(%dma_wait3A_583 : memref<128x128xf32, #tpu.memory_space<hbm>>)
      } else {
      }
      %eq3A_543 = arith.constant 781 : i32
      %eq3A_544 = arith.cmpi eq, %add3A_537, %eq3A_543 : i32
      %convert_element_type3A_545 = arith.extui %eq3A_544 : i1 to i32
      %cond3A_546 = arith.constant 0 : i32
      %cond3A_547 = arith.cmpi ne, %convert_element_type3A_545, %cond3A_546 : i32
      scf.if %cond3A_547 {
        %dma_wait3A_575 = arith.constant 0 : i32
        %dma_wait3A_576 = arith.constant 0 : i32
        %dma_wait3A_577 = tpu.memref_slice %arg12[%dma_wait3A_575, %dma_wait3A_576] : memref<128x128xf32, #tpu.memory_space<vmem>> -> memref<32x128xf32, #tpu.memory_space<vmem>>
        %dma_wait3A_578 = arith.constant 99968 : i32
        %dma_wait3A_579 = arith.constant 0 : i32
        %dma_wait3A_580 = tpu.memref_slice %arg4[%dma_wait3A_578, %dma_wait3A_579] : memref<100000x128xf32, #tpu.memory_space<hbm>> -> memref<32x128xf32, #tpu.memory_space<hbm>>
        %dma_wait3A_581 = arith.constant 99968 : i32
        %dma_wait3A_582 = arith.constant 0 : i32
        %dma_wait3A_583 = tpu.memref_slice %arg4[%dma_wait3A_581, %dma_wait3A_582] : memref<100000x128xf32, #tpu.memory_space<hbm>> -> memref<32x128xf32, #tpu.memory_space<hbm>>
        %dma_wait3A_584 = arith.constant 0 : i32
        %dma_wait3A_585 = arith.constant 0 : i32
        %dma_wait3A_586 = tpu.memref_slice %arg12[%dma_wait3A_584, %dma_wait3A_585] : memref<128x128xf32, #tpu.memory_space<vmem>> -> memref<32x128xf32, #tpu.memory_space<vmem>>
        tpu.wait_dma2 semaphore(%arg24 : memref<!tpu.dma_semaphore, #tpu.memory_space<semaphore_mem>>) src(%dma_wait3A_586 : memref<32x128xf32, #tpu.memory_space<vmem>>) dst(%dma_wait3A_583 : memref<32x128xf32, #tpu.memory_space<hbm>>)
      } else {
      }
      %add3A_548 = arith.constant 3 : i32
      %add3A_549 = arith.addi %add3A_532, %add3A_548 : i32
      %dma_start3A_550 = arith.constant 0 : i32
      %dma_start3A_551 = tpu.memref_slice %arg5[%add3A_549, %dma_start3A_550] : memref<25x128xi32, #tpu.memory_space<vmem>> -> memref<1x128xi32, #tpu.memory_space<vmem>>
      %dma_start3A_552 = tpu.memref_squeeze %dma_start3A_551 : memref<1x128xi32, #tpu.memory_space<vmem>> -> memref<128xi32, #tpu.memory_space<vmem>>
      %dma_start3A_553 = arith.constant 0 : i32
      %dma_start3A_554 = arith.constant 0 : i32
      %dma_start3A_555 = tpu.memref_slice %arg6[%dma_start3A_553, %dma_start3A_554] : memref<37x128xf32, #tpu.memory_space<vmem_shared>> -> memref<37x128xf32, #tpu.memory_space<vmem_shared>>
      tpu.enqueue_indirect_dma source(%dma_start3A_555 : memref<37x128xf32, #tpu.memory_space<vmem_shared>>) target(%arg12 : memref<128x128xf32, #tpu.memory_space<vmem>>) offsets(%dma_start3A_552 : memref<128xi32, #tpu.memory_space<vmem>>) semaphore(%arg18 : memref<!tpu.dma_semaphore, #tpu.memory_space<semaphore_mem>>)
      %dma_wait3A_556 = arith.constant 0 : i32
      %dma_wait3A_557 = tpu.memref_slice %arg5[%add3A_532, %dma_wait3A_556] : memref<25x128xi32, #tpu.memory_space<vmem>> -> memref<1x128xi32, #tpu.memory_space<vmem>>
      %dma_wait3A_558 = tpu.memref_squeeze %dma_wait3A_557 : memref<1x128xi32, #tpu.memory_space<vmem>> -> memref<128xi32, #tpu.memory_space<vmem>>
      %dma_wait3A_559 = arith.constant 0 : i32
      %dma_wait3A_560 = arith.constant 0 : i32
      %dma_wait3A_561 = tpu.memref_slice %arg6[%dma_wait3A_559, %dma_wait3A_560] : memref<37x128xf32, #tpu.memory_space<vmem_shared>> -> memref<37x128xf32, #tpu.memory_space<vmem_shared>>
      tpu.wait_indirect_dma semaphore(%arg15 : memref<!tpu.dma_semaphore, #tpu.memory_space<semaphore_mem>>) src(%dma_wait3A_561 : memref<37x128xf32, #tpu.memory_space<vmem_shared>>) dst(%arg9 : memref<128x128xf32, #tpu.memory_space<vmem>>)
      %mul3A_562 = arith.constant 25 : i32
      %mul3A_563 = arith.muli %add3A, %mul3A_562 : i32
      %add3A_564 = arith.addi %mul3A_563, %add3A_532 : i32
      %lt3A_565 = arith.constant 781 : i32
      %lt3A_566 = arith.cmpi slt, %add3A_564, %lt3A_565 : i32
      %convert_element_type3A_567 = arith.extui %lt3A_566 : i1 to i32
      %cond3A_568 = arith.constant 0 : i32
      %cond3A_569 = arith.cmpi ne, %convert_element_type3A_567, %cond3A_568 : i32
      scf.if %cond3A_569 {
        %mul3A_575 = arith.constant 25 : i32
        %mul3A_576 = arith.muli %add3A, %mul3A_575 : i32
        %add3A_577 = arith.addi %mul3A_576, %add3A_532 : i32
        %mul3A_578 = arith.constant 128 : i32
        %mul3A_579 = arith.muli %add3A_577, %mul3A_578 : i32
        %dma_start3A_580 = arith.constant 0 : i32
        %dma_start3A_581 = tpu.memref_slice %arg4[%mul3A_579, %dma_start3A_580] : memref<100000x128xf32, #tpu.memory_space<hbm>> -> memref<128x128xf32, #tpu.memory_space<hbm>>
        %dma_start3A_582 = arith.constant 0 : i32
        %dma_start3A_583 = tpu.memref_slice %arg4[%mul3A_579, %dma_start3A_582] : memref<100000x128xf32, #tpu.memory_space<hbm>> -> memref<128x128xf32, #tpu.memory_space<hbm>>
        tpu.enqueue_dma source(%arg9 : memref<128x128xf32, #tpu.memory_space<vmem>>) target(%dma_start3A_583 : memref<128x128xf32, #tpu.memory_space<hbm>>) target_semaphore(%arg21 : memref<!tpu.dma_semaphore, #tpu.memory_space<semaphore_mem>>)
      } else {
      }
      %eq3A_570 = arith.constant 781 : i32
      %eq3A_571 = arith.cmpi eq, %add3A_564, %eq3A_570 : i32
      %convert_element_type3A_572 = arith.extui %eq3A_571 : i1 to i32
      %cond3A_573 = arith.constant 0 : i32
      %cond3A_574 = arith.cmpi ne, %convert_element_type3A_572, %cond3A_573 : i32
      scf.if %cond3A_574 {
        %dma_start3A_575 = arith.constant 0 : i32
        %dma_start3A_576 = arith.constant 0 : i32
        %dma_start3A_577 = tpu.memref_slice %arg9[%dma_start3A_575, %dma_start3A_576] : memref<128x128xf32, #tpu.memory_space<vmem>> -> memref<32x128xf32, #tpu.memory_space<vmem>>
        %dma_start3A_578 = arith.constant 99968 : i32
        %dma_start3A_579 = arith.constant 0 : i32
        %dma_start3A_580 = tpu.memref_slice %arg4[%dma_start3A_578, %dma_start3A_579] : memref<100000x128xf32, #tpu.memory_space<hbm>> -> memref<32x128xf32, #tpu.memory_space<hbm>>
        %dma_start3A_581 = arith.constant 99968 : i32
        %dma_start3A_582 = arith.constant 0 : i32
        %dma_start3A_583 = tpu.memref_slice %arg4[%dma_start3A_581, %dma_start3A_582] : memref<100000x128xf32, #tpu.memory_space<hbm>> -> memref<32x128xf32, #tpu.memory_space<hbm>>
        %dma_start3A_584 = arith.constant 0 : i32
        %dma_start3A_585 = arith.constant 0 : i32
        %dma_start3A_586 = tpu.memref_slice %arg9[%dma_start3A_584, %dma_start3A_585] : memref<128x128xf32, #tpu.memory_space<vmem>> -> memref<32x128xf32, #tpu.memory_space<vmem>>
        tpu.enqueue_dma source(%dma_start3A_586 : memref<32x128xf32, #tpu.memory_space<vmem>>) target(%dma_start3A_583 : memref<32x128xf32, #tpu.memory_space<hbm>>) target_semaphore(%arg21 : memref<!tpu.dma_semaphore, #tpu.memory_space<semaphore_mem>>)
      } else {
      }
    }
    %scan3A_113 = arith.constant 3 : i32
    %mul3A_114 = arith.constant 25 : i32
    %mul3A_115 = arith.muli %add3A, %mul3A_114 : i32
    %add3A_116 = arith.constant 18 : i32
    %add3A_117 = arith.addi %mul3A_115, %add3A_116 : i32
    %lt3A = arith.constant 781 : i32
    %lt3A_118 = arith.cmpi slt, %add3A_117, %lt3A : i32
    %convert_element_type3A_119 = arith.extui %lt3A_118 : i1 to i32
    %cond3A_120 = arith.constant 0 : i32
    %cond3A_121 = arith.cmpi ne, %convert_element_type3A_119, %cond3A_120 : i32
    scf.if %cond3A_121 {
      %mul3A_283 = arith.constant 25 : i32
      %mul3A_284 = arith.muli %add3A, %mul3A_283 : i32
      %add3A_285 = arith.constant 18 : i32
      %add3A_286 = arith.addi %mul3A_284, %add3A_285 : i32
      %mul3A_287 = arith.constant 128 : i32
      %mul3A_288 = arith.muli %add3A_286, %mul3A_287 : i32
      %dma_wait3A_289 = arith.constant 0 : i32
      %dma_wait3A_290 = tpu.memref_slice %arg4[%mul3A_288, %dma_wait3A_289] : memref<100000x128xf32, #tpu.memory_space<hbm>> -> memref<128x128xf32, #tpu.memory_space<hbm>>
      %dma_wait3A_291 = arith.constant 0 : i32
      %dma_wait3A_292 = tpu.memref_slice %arg4[%mul3A_288, %dma_wait3A_291] : memref<100000x128xf32, #tpu.memory_space<hbm>> -> memref<128x128xf32, #tpu.memory_space<hbm>>
      tpu.wait_dma2 semaphore(%arg19 : memref<!tpu.dma_semaphore, #tpu.memory_space<semaphore_mem>>) src(%arg7 : memref<128x128xf32, #tpu.memory_space<vmem>>) dst(%dma_wait3A_292 : memref<128x128xf32, #tpu.memory_space<hbm>>)
    } else {
    }
    %eq3A_122 = arith.constant 781 : i32
    %eq3A_123 = arith.cmpi eq, %add3A_117, %eq3A_122 : i32
    %convert_element_type3A_124 = arith.extui %eq3A_123 : i1 to i32
    %cond3A_125 = arith.constant 0 : i32
    %cond3A_126 = arith.cmpi ne, %convert_element_type3A_124, %cond3A_125 : i32
    scf.if %cond3A_126 {
      %dma_wait3A_283 = arith.constant 0 : i32
      %dma_wait3A_284 = arith.constant 0 : i32
      %dma_wait3A_285 = tpu.memref_slice %arg7[%dma_wait3A_283, %dma_wait3A_284] : memref<128x128xf32, #tpu.memory_space<vmem>> -> memref<32x128xf32, #tpu.memory_space<vmem>>
      %dma_wait3A_286 = arith.constant 99968 : i32
      %dma_wait3A_287 = arith.constant 0 : i32
      %dma_wait3A_288 = tpu.memref_slice %arg4[%dma_wait3A_286, %dma_wait3A_287] : memref<100000x128xf32, #tpu.memory_space<hbm>> -> memref<32x128xf32, #tpu.memory_space<hbm>>
      %dma_wait3A_289 = arith.constant 99968 : i32
      %dma_wait3A_290 = arith.constant 0 : i32
      %dma_wait3A_291 = tpu.memref_slice %arg4[%dma_wait3A_289, %dma_wait3A_290] : memref<100000x128xf32, #tpu.memory_space<hbm>> -> memref<32x128xf32, #tpu.memory_space<hbm>>
      %dma_wait3A_292 = arith.constant 0 : i32
      %dma_wait3A_293 = arith.constant 0 : i32
      %dma_wait3A_294 = tpu.memref_slice %arg7[%dma_wait3A_292, %dma_wait3A_293] : memref<128x128xf32, #tpu.memory_space<vmem>> -> memref<32x128xf32, #tpu.memory_space<vmem>>
      tpu.wait_dma2 semaphore(%arg19 : memref<!tpu.dma_semaphore, #tpu.memory_space<semaphore_mem>>) src(%dma_wait3A_294 : memref<32x128xf32, #tpu.memory_space<vmem>>) dst(%dma_wait3A_291 : memref<32x128xf32, #tpu.memory_space<hbm>>)
    } else {
    }
    %dma_start3A_127 = arith.constant 24 : i32
    %dma_start3A_128 = arith.constant 0 : i32
    %dma_start3A_129 = tpu.memref_slice %arg5[%dma_start3A_127, %dma_start3A_128] : memref<25x128xi32, #tpu.memory_space<vmem>> -> memref<1x128xi32, #tpu.memory_space<vmem>>
    %dma_start3A_130 = tpu.memref_squeeze %dma_start3A_129 : memref<1x128xi32, #tpu.memory_space<vmem>> -> memref<128xi32, #tpu.memory_space<vmem>>
    %dma_start3A_131 = arith.constant 0 : i32
    %dma_start3A_132 = arith.constant 0 : i32
    %dma_start3A_133 = tpu.memref_slice %arg6[%dma_start3A_131, %dma_start3A_132] : memref<37x128xf32, #tpu.memory_space<vmem_shared>> -> memref<37x128xf32, #tpu.memory_space<vmem_shared>>
    tpu.enqueue_indirect_dma source(%dma_start3A_133 : memref<37x128xf32, #tpu.memory_space<vmem_shared>>) target(%arg7 : memref<128x128xf32, #tpu.memory_space<vmem>>) offsets(%dma_start3A_130 : memref<128xi32, #tpu.memory_space<vmem>>) semaphore(%arg13 : memref<!tpu.dma_semaphore, #tpu.memory_space<semaphore_mem>>)
    %dma_wait3A_134 = arith.constant 21 : i32
    %dma_wait3A_135 = arith.constant 0 : i32
    %dma_wait3A_136 = tpu.memref_slice %arg5[%dma_wait3A_134, %dma_wait3A_135] : memref<25x128xi32, #tpu.memory_space<vmem>> -> memref<1x128xi32, #tpu.memory_space<vmem>>
    %dma_wait3A_137 = tpu.memref_squeeze %dma_wait3A_136 : memref<1x128xi32, #tpu.memory_space<vmem>> -> memref<128xi32, #tpu.memory_space<vmem>>
    %dma_wait3A_138 = arith.constant 0 : i32
    %dma_wait3A_139 = arith.constant 0 : i32
    %dma_wait3A_140 = tpu.memref_slice %arg6[%dma_wait3A_138, %dma_wait3A_139] : memref<37x128xf32, #tpu.memory_space<vmem_shared>> -> memref<37x128xf32, #tpu.memory_space<vmem_shared>>
    tpu.wait_indirect_dma semaphore(%arg16 : memref<!tpu.dma_semaphore, #tpu.memory_space<semaphore_mem>>) src(%dma_wait3A_140 : memref<37x128xf32, #tpu.memory_space<vmem_shared>>) dst(%arg10 : memref<128x128xf32, #tpu.memory_space<vmem>>)
    %mul3A_141 = arith.constant 25 : i32
    %mul3A_142 = arith.muli %add3A, %mul3A_141 : i32
    %add3A_143 = arith.constant 21 : i32
    %add3A_144 = arith.addi %mul3A_142, %add3A_143 : i32
    %lt3A_145 = arith.constant 781 : i32
    %lt3A_146 = arith.cmpi slt, %add3A_144, %lt3A_145 : i32
    %convert_element_type3A_147 = arith.extui %lt3A_146 : i1 to i32
    %cond3A_148 = arith.constant 0 : i32
    %cond3A_149 = arith.cmpi ne, %convert_element_type3A_147, %cond3A_148 : i32
    scf.if %cond3A_149 {
      %mul3A_283 = arith.constant 25 : i32
      %mul3A_284 = arith.muli %add3A, %mul3A_283 : i32
      %add3A_285 = arith.constant 21 : i32
      %add3A_286 = arith.addi %mul3A_284, %add3A_285 : i32
      %mul3A_287 = arith.constant 128 : i32
      %mul3A_288 = arith.muli %add3A_286, %mul3A_287 : i32
      %dma_start3A_289 = arith.constant 0 : i32
      %dma_start3A_290 = tpu.memref_slice %arg4[%mul3A_288, %dma_start3A_289] : memref<100000x128xf32, #tpu.memory_space<hbm>> -> memref<128x128xf32, #tpu.memory_space<hbm>>
      %dma_start3A_291 = arith.constant 0 : i32
      %dma_start3A_292 = tpu.memref_slice %arg4[%mul3A_288, %dma_start3A_291] : memref<100000x128xf32, #tpu.memory_space<hbm>> -> memref<128x128xf32, #tpu.memory_space<hbm>>
      tpu.enqueue_dma source(%arg10 : memref<128x128xf32, #tpu.memory_space<vmem>>) target(%dma_start3A_292 : memref<128x128xf32, #tpu.memory_space<hbm>>) target_semaphore(%arg22 : memref<!tpu.dma_semaphore, #tpu.memory_space<semaphore_mem>>)
    } else {
    }
    %eq3A_150 = arith.constant 781 : i32
    %eq3A_151 = arith.cmpi eq, %add3A_144, %eq3A_150 : i32
    %convert_element_type3A_152 = arith.extui %eq3A_151 : i1 to i32
    %cond3A_153 = arith.constant 0 : i32
    %cond3A_154 = arith.cmpi ne, %convert_element_type3A_152, %cond3A_153 : i32
    scf.if %cond3A_154 {
      %dma_start3A_283 = arith.constant 0 : i32
      %dma_start3A_284 = arith.constant 0 : i32
      %dma_start3A_285 = tpu.memref_slice %arg10[%dma_start3A_283, %dma_start3A_284] : memref<128x128xf32, #tpu.memory_space<vmem>> -> memref<32x128xf32, #tpu.memory_space<vmem>>
      %dma_start3A_286 = arith.constant 99968 : i32
      %dma_start3A_287 = arith.constant 0 : i32
      %dma_start3A_288 = tpu.memref_slice %arg4[%dma_start3A_286, %dma_start3A_287] : memref<100000x128xf32, #tpu.memory_space<hbm>> -> memref<32x128xf32, #tpu.memory_space<hbm>>
      %dma_start3A_289 = arith.constant 99968 : i32
      %dma_start3A_290 = arith.constant 0 : i32
      %dma_start3A_291 = tpu.memref_slice %arg4[%dma_start3A_289, %dma_start3A_290] : memref<100000x128xf32, #tpu.memory_space<hbm>> -> memref<32x128xf32, #tpu.memory_space<hbm>>
      %dma_start3A_292 = arith.constant 0 : i32
      %dma_start3A_293 = arith.constant 0 : i32
      %dma_start3A_294 = tpu.memref_slice %arg10[%dma_start3A_292, %dma_start3A_293] : memref<128x128xf32, #tpu.memory_space<vmem>> -> memref<32x128xf32, #tpu.memory_space<vmem>>
      tpu.enqueue_dma source(%dma_start3A_294 : memref<32x128xf32, #tpu.memory_space<vmem>>) target(%dma_start3A_291 : memref<32x128xf32, #tpu.memory_space<hbm>>) target_semaphore(%arg22 : memref<!tpu.dma_semaphore, #tpu.memory_space<semaphore_mem>>)
    } else {
    }
    %mul3A_155 = arith.constant 25 : i32
    %mul3A_156 = arith.muli %add3A, %mul3A_155 : i32
    %add3A_157 = arith.constant 19 : i32
    %add3A_158 = arith.addi %mul3A_156, %add3A_157 : i32
    %lt3A_159 = arith.constant 781 : i32
    %lt3A_160 = arith.cmpi slt, %add3A_158, %lt3A_159 : i32
    %convert_element_type3A_161 = arith.extui %lt3A_160 : i1 to i32
    %cond3A_162 = arith.constant 0 : i32
    %cond3A_163 = arith.cmpi ne, %convert_element_type3A_161, %cond3A_162 : i32
    scf.if %cond3A_163 {
      %mul3A_283 = arith.constant 25 : i32
      %mul3A_284 = arith.muli %add3A, %mul3A_283 : i32
      %add3A_285 = arith.constant 19 : i32
      %add3A_286 = arith.addi %mul3A_284, %add3A_285 : i32
      %mul3A_287 = arith.constant 128 : i32
      %mul3A_288 = arith.muli %add3A_286, %mul3A_287 : i32
      %dma_wait3A_289 = arith.constant 0 : i32
      %dma_wait3A_290 = tpu.memref_slice %arg4[%mul3A_288, %dma_wait3A_289] : memref<100000x128xf32, #tpu.memory_space<hbm>> -> memref<128x128xf32, #tpu.memory_space<hbm>>
      %dma_wait3A_291 = arith.constant 0 : i32
      %dma_wait3A_292 = tpu.memref_slice %arg4[%mul3A_288, %dma_wait3A_291] : memref<100000x128xf32, #tpu.memory_space<hbm>> -> memref<128x128xf32, #tpu.memory_space<hbm>>
      tpu.wait_dma2 semaphore(%arg20 : memref<!tpu.dma_semaphore, #tpu.memory_space<semaphore_mem>>) src(%arg8 : memref<128x128xf32, #tpu.memory_space<vmem>>) dst(%dma_wait3A_292 : memref<128x128xf32, #tpu.memory_space<hbm>>)
    } else {
    }
    %eq3A_164 = arith.constant 781 : i32
    %eq3A_165 = arith.cmpi eq, %add3A_158, %eq3A_164 : i32
    %convert_element_type3A_166 = arith.extui %eq3A_165 : i1 to i32
    %cond3A_167 = arith.constant 0 : i32
    %cond3A_168 = arith.cmpi ne, %convert_element_type3A_166, %cond3A_167 : i32
    scf.if %cond3A_168 {
      %dma_wait3A_283 = arith.constant 0 : i32
      %dma_wait3A_284 = arith.constant 0 : i32
      %dma_wait3A_285 = tpu.memref_slice %arg8[%dma_wait3A_283, %dma_wait3A_284] : memref<128x128xf32, #tpu.memory_space<vmem>> -> memref<32x128xf32, #tpu.memory_space<vmem>>
      %dma_wait3A_286 = arith.constant 99968 : i32
      %dma_wait3A_287 = arith.constant 0 : i32
      %dma_wait3A_288 = tpu.memref_slice %arg4[%dma_wait3A_286, %dma_wait3A_287] : memref<100000x128xf32, #tpu.memory_space<hbm>> -> memref<32x128xf32, #tpu.memory_space<hbm>>
      %dma_wait3A_289 = arith.constant 99968 : i32
      %dma_wait3A_290 = arith.constant 0 : i32
      %dma_wait3A_291 = tpu.memref_slice %arg4[%dma_wait3A_289, %dma_wait3A_290] : memref<100000x128xf32, #tpu.memory_space<hbm>> -> memref<32x128xf32, #tpu.memory_space<hbm>>
      %dma_wait3A_292 = arith.constant 0 : i32
      %dma_wait3A_293 = arith.constant 0 : i32
      %dma_wait3A_294 = tpu.memref_slice %arg8[%dma_wait3A_292, %dma_wait3A_293] : memref<128x128xf32, #tpu.memory_space<vmem>> -> memref<32x128xf32, #tpu.memory_space<vmem>>
      tpu.wait_dma2 semaphore(%arg20 : memref<!tpu.dma_semaphore, #tpu.memory_space<semaphore_mem>>) src(%dma_wait3A_294 : memref<32x128xf32, #tpu.memory_space<vmem>>) dst(%dma_wait3A_291 : memref<32x128xf32, #tpu.memory_space<hbm>>)
    } else {
    }
    %dma_wait3A_169 = arith.constant 22 : i32
    %dma_wait3A_170 = arith.constant 0 : i32
    %dma_wait3A_171 = tpu.memref_slice %arg5[%dma_wait3A_169, %dma_wait3A_170] : memref<25x128xi32, #tpu.memory_space<vmem>> -> memref<1x128xi32, #tpu.memory_space<vmem>>
    %dma_wait3A_172 = tpu.memref_squeeze %dma_wait3A_171 : memref<1x128xi32, #tpu.memory_space<vmem>> -> memref<128xi32, #tpu.memory_space<vmem>>
    %dma_wait3A_173 = arith.constant 0 : i32
    %dma_wait3A_174 = arith.constant 0 : i32
    %dma_wait3A_175 = tpu.memref_slice %arg6[%dma_wait3A_173, %dma_wait3A_174] : memref<37x128xf32, #tpu.memory_space<vmem_shared>> -> memref<37x128xf32, #tpu.memory_space<vmem_shared>>
    tpu.wait_indirect_dma semaphore(%arg17 : memref<!tpu.dma_semaphore, #tpu.memory_space<semaphore_mem>>) src(%dma_wait3A_175 : memref<37x128xf32, #tpu.memory_space<vmem_shared>>) dst(%arg11 : memref<128x128xf32, #tpu.memory_space<vmem>>)
    %mul3A_176 = arith.constant 25 : i32
    %mul3A_177 = arith.muli %add3A, %mul3A_176 : i32
    %add3A_178 = arith.constant 22 : i32
    %add3A_179 = arith.addi %mul3A_177, %add3A_178 : i32
    %lt3A_180 = arith.constant 781 : i32
    %lt3A_181 = arith.cmpi slt, %add3A_179, %lt3A_180 : i32
    %convert_element_type3A_182 = arith.extui %lt3A_181 : i1 to i32
    %cond3A_183 = arith.constant 0 : i32
    %cond3A_184 = arith.cmpi ne, %convert_element_type3A_182, %cond3A_183 : i32
    scf.if %cond3A_184 {
      %mul3A_283 = arith.constant 25 : i32
      %mul3A_284 = arith.muli %add3A, %mul3A_283 : i32
      %add3A_285 = arith.constant 22 : i32
      %add3A_286 = arith.addi %mul3A_284, %add3A_285 : i32
      %mul3A_287 = arith.constant 128 : i32
      %mul3A_288 = arith.muli %add3A_286, %mul3A_287 : i32
      %dma_start3A_289 = arith.constant 0 : i32
      %dma_start3A_290 = tpu.memref_slice %arg4[%mul3A_288, %dma_start3A_289] : memref<100000x128xf32, #tpu.memory_space<hbm>> -> memref<128x128xf32, #tpu.memory_space<hbm>>
      %dma_start3A_291 = arith.constant 0 : i32
      %dma_start3A_292 = tpu.memref_slice %arg4[%mul3A_288, %dma_start3A_291] : memref<100000x128xf32, #tpu.memory_space<hbm>> -> memref<128x128xf32, #tpu.memory_space<hbm>>
      tpu.enqueue_dma source(%arg11 : memref<128x128xf32, #tpu.memory_space<vmem>>) target(%dma_start3A_292 : memref<128x128xf32, #tpu.memory_space<hbm>>) target_semaphore(%arg23 : memref<!tpu.dma_semaphore, #tpu.memory_space<semaphore_mem>>)
    } else {
    }
    %eq3A_185 = arith.constant 781 : i32
    %eq3A_186 = arith.cmpi eq, %add3A_179, %eq3A_185 : i32
    %convert_element_type3A_187 = arith.extui %eq3A_186 : i1 to i32
    %cond3A_188 = arith.constant 0 : i32
    %cond3A_189 = arith.cmpi ne, %convert_element_type3A_187, %cond3A_188 : i32
    scf.if %cond3A_189 {
      %dma_start3A_283 = arith.constant 0 : i32
      %dma_start3A_284 = arith.constant 0 : i32
      %dma_start3A_285 = tpu.memref_slice %arg11[%dma_start3A_283, %dma_start3A_284] : memref<128x128xf32, #tpu.memory_space<vmem>> -> memref<32x128xf32, #tpu.memory_space<vmem>>
      %dma_start3A_286 = arith.constant 99968 : i32
      %dma_start3A_287 = arith.constant 0 : i32
      %dma_start3A_288 = tpu.memref_slice %arg4[%dma_start3A_286, %dma_start3A_287] : memref<100000x128xf32, #tpu.memory_space<hbm>> -> memref<32x128xf32, #tpu.memory_space<hbm>>
      %dma_start3A_289 = arith.constant 99968 : i32
      %dma_start3A_290 = arith.constant 0 : i32
      %dma_start3A_291 = tpu.memref_slice %arg4[%dma_start3A_289, %dma_start3A_290] : memref<100000x128xf32, #tpu.memory_space<hbm>> -> memref<32x128xf32, #tpu.memory_space<hbm>>
      %dma_start3A_292 = arith.constant 0 : i32
      %dma_start3A_293 = arith.constant 0 : i32
      %dma_start3A_294 = tpu.memref_slice %arg11[%dma_start3A_292, %dma_start3A_293] : memref<128x128xf32, #tpu.memory_space<vmem>> -> memref<32x128xf32, #tpu.memory_space<vmem>>
      tpu.enqueue_dma source(%dma_start3A_294 : memref<32x128xf32, #tpu.memory_space<vmem>>) target(%dma_start3A_291 : memref<32x128xf32, #tpu.memory_space<hbm>>) target_semaphore(%arg23 : memref<!tpu.dma_semaphore, #tpu.memory_space<semaphore_mem>>)
    } else {
    }
    %mul3A_190 = arith.constant 25 : i32
    %mul3A_191 = arith.muli %add3A, %mul3A_190 : i32
    %add3A_192 = arith.constant 20 : i32
    %add3A_193 = arith.addi %mul3A_191, %add3A_192 : i32
    %lt3A_194 = arith.constant 781 : i32
    %lt3A_195 = arith.cmpi slt, %add3A_193, %lt3A_194 : i32
    %convert_element_type3A_196 = arith.extui %lt3A_195 : i1 to i32
    %cond3A_197 = arith.constant 0 : i32
    %cond3A_198 = arith.cmpi ne, %convert_element_type3A_196, %cond3A_197 : i32
    scf.if %cond3A_198 {
      %mul3A_283 = arith.constant 25 : i32
      %mul3A_284 = arith.muli %add3A, %mul3A_283 : i32
      %add3A_285 = arith.constant 20 : i32
      %add3A_286 = arith.addi %mul3A_284, %add3A_285 : i32
      %mul3A_287 = arith.constant 128 : i32
      %mul3A_288 = arith.muli %add3A_286, %mul3A_287 : i32
      %dma_wait3A_289 = arith.constant 0 : i32
      %dma_wait3A_290 = tpu.memref_slice %arg4[%mul3A_288, %dma_wait3A_289] : memref<100000x128xf32, #tpu.memory_space<hbm>> -> memref<128x128xf32, #tpu.memory_space<hbm>>
      %dma_wait3A_291 = arith.constant 0 : i32
      %dma_wait3A_292 = tpu.memref_slice %arg4[%mul3A_288, %dma_wait3A_291] : memref<100000x128xf32, #tpu.memory_space<hbm>> -> memref<128x128xf32, #tpu.memory_space<hbm>>
      tpu.wait_dma2 semaphore(%arg21 : memref<!tpu.dma_semaphore, #tpu.memory_space<semaphore_mem>>) src(%arg9 : memref<128x128xf32, #tpu.memory_space<vmem>>) dst(%dma_wait3A_292 : memref<128x128xf32, #tpu.memory_space<hbm>>)
    } else {
    }
    %eq3A_199 = arith.constant 781 : i32
    %eq3A_200 = arith.cmpi eq, %add3A_193, %eq3A_199 : i32
    %convert_element_type3A_201 = arith.extui %eq3A_200 : i1 to i32
    %cond3A_202 = arith.constant 0 : i32
    %cond3A_203 = arith.cmpi ne, %convert_element_type3A_201, %cond3A_202 : i32
    scf.if %cond3A_203 {
      %dma_wait3A_283 = arith.constant 0 : i32
      %dma_wait3A_284 = arith.constant 0 : i32
      %dma_wait3A_285 = tpu.memref_slice %arg9[%dma_wait3A_283, %dma_wait3A_284] : memref<128x128xf32, #tpu.memory_space<vmem>> -> memref<32x128xf32, #tpu.memory_space<vmem>>
      %dma_wait3A_286 = arith.constant 99968 : i32
      %dma_wait3A_287 = arith.constant 0 : i32
      %dma_wait3A_288 = tpu.memref_slice %arg4[%dma_wait3A_286, %dma_wait3A_287] : memref<100000x128xf32, #tpu.memory_space<hbm>> -> memref<32x128xf32, #tpu.memory_space<hbm>>
      %dma_wait3A_289 = arith.constant 99968 : i32
      %dma_wait3A_290 = arith.constant 0 : i32
      %dma_wait3A_291 = tpu.memref_slice %arg4[%dma_wait3A_289, %dma_wait3A_290] : memref<100000x128xf32, #tpu.memory_space<hbm>> -> memref<32x128xf32, #tpu.memory_space<hbm>>
      %dma_wait3A_292 = arith.constant 0 : i32
      %dma_wait3A_293 = arith.constant 0 : i32
      %dma_wait3A_294 = tpu.memref_slice %arg9[%dma_wait3A_292, %dma_wait3A_293] : memref<128x128xf32, #tpu.memory_space<vmem>> -> memref<32x128xf32, #tpu.memory_space<vmem>>
      tpu.wait_dma2 semaphore(%arg21 : memref<!tpu.dma_semaphore, #tpu.memory_space<semaphore_mem>>) src(%dma_wait3A_294 : memref<32x128xf32, #tpu.memory_space<vmem>>) dst(%dma_wait3A_291 : memref<32x128xf32, #tpu.memory_space<hbm>>)
    } else {
    }
    %dma_wait3A_204 = arith.constant 23 : i32
    %dma_wait3A_205 = arith.constant 0 : i32
    %dma_wait3A_206 = tpu.memref_slice %arg5[%dma_wait3A_204, %dma_wait3A_205] : memref<25x128xi32, #tpu.memory_space<vmem>> -> memref<1x128xi32, #tpu.memory_space<vmem>>
    %dma_wait3A_207 = tpu.memref_squeeze %dma_wait3A_206 : memref<1x128xi32, #tpu.memory_space<vmem>> -> memref<128xi32, #tpu.memory_space<vmem>>
    %dma_wait3A_208 = arith.constant 0 : i32
    %dma_wait3A_209 = arith.constant 0 : i32
    %dma_wait3A_210 = tpu.memref_slice %arg6[%dma_wait3A_208, %dma_wait3A_209] : memref<37x128xf32, #tpu.memory_space<vmem_shared>> -> memref<37x128xf32, #tpu.memory_space<vmem_shared>>
    tpu.wait_indirect_dma semaphore(%arg18 : memref<!tpu.dma_semaphore, #tpu.memory_space<semaphore_mem>>) src(%dma_wait3A_210 : memref<37x128xf32, #tpu.memory_space<vmem_shared>>) dst(%arg12 : memref<128x128xf32, #tpu.memory_space<vmem>>)
    %mul3A_211 = arith.constant 25 : i32
    %mul3A_212 = arith.muli %add3A, %mul3A_211 : i32
    %add3A_213 = arith.constant 23 : i32
    %add3A_214 = arith.addi %mul3A_212, %add3A_213 : i32
    %lt3A_215 = arith.constant 781 : i32
    %lt3A_216 = arith.cmpi slt, %add3A_214, %lt3A_215 : i32
    %convert_element_type3A_217 = arith.extui %lt3A_216 : i1 to i32
    %cond3A_218 = arith.constant 0 : i32
    %cond3A_219 = arith.cmpi ne, %convert_element_type3A_217, %cond3A_218 : i32
    scf.if %cond3A_219 {
      %mul3A_283 = arith.constant 25 : i32
      %mul3A_284 = arith.muli %add3A, %mul3A_283 : i32
      %add3A_285 = arith.constant 23 : i32
      %add3A_286 = arith.addi %mul3A_284, %add3A_285 : i32
      %mul3A_287 = arith.constant 128 : i32
      %mul3A_288 = arith.muli %add3A_286, %mul3A_287 : i32
      %dma_start3A_289 = arith.constant 0 : i32
      %dma_start3A_290 = tpu.memref_slice %arg4[%mul3A_288, %dma_start3A_289] : memref<100000x128xf32, #tpu.memory_space<hbm>> -> memref<128x128xf32, #tpu.memory_space<hbm>>
      %dma_start3A_291 = arith.constant 0 : i32
      %dma_start3A_292 = tpu.memref_slice %arg4[%mul3A_288, %dma_start3A_291] : memref<100000x128xf32, #tpu.memory_space<hbm>> -> memref<128x128xf32, #tpu.memory_space<hbm>>
      tpu.enqueue_dma source(%arg12 : memref<128x128xf32, #tpu.memory_space<vmem>>) target(%dma_start3A_292 : memref<128x128xf32, #tpu.memory_space<hbm>>) target_semaphore(%arg24 : memref<!tpu.dma_semaphore, #tpu.memory_space<semaphore_mem>>)
    } else {
    }
    %eq3A_220 = arith.constant 781 : i32
    %eq3A_221 = arith.cmpi eq, %add3A_214, %eq3A_220 : i32
    %convert_element_type3A_222 = arith.extui %eq3A_221 : i1 to i32
    %cond3A_223 = arith.constant 0 : i32
    %cond3A_224 = arith.cmpi ne, %convert_element_type3A_222, %cond3A_223 : i32
    scf.if %cond3A_224 {
      %dma_start3A_283 = arith.constant 0 : i32
      %dma_start3A_284 = arith.constant 0 : i32
      %dma_start3A_285 = tpu.memref_slice %arg12[%dma_start3A_283, %dma_start3A_284] : memref<128x128xf32, #tpu.memory_space<vmem>> -> memref<32x128xf32, #tpu.memory_space<vmem>>
      %dma_start3A_286 = arith.constant 99968 : i32
      %dma_start3A_287 = arith.constant 0 : i32
      %dma_start3A_288 = tpu.memref_slice %arg4[%dma_start3A_286, %dma_start3A_287] : memref<100000x128xf32, #tpu.memory_space<hbm>> -> memref<32x128xf32, #tpu.memory_space<hbm>>
      %dma_start3A_289 = arith.constant 99968 : i32
      %dma_start3A_290 = arith.constant 0 : i32
      %dma_start3A_291 = tpu.memref_slice %arg4[%dma_start3A_289, %dma_start3A_290] : memref<100000x128xf32, #tpu.memory_space<hbm>> -> memref<32x128xf32, #tpu.memory_space<hbm>>
      %dma_start3A_292 = arith.constant 0 : i32
      %dma_start3A_293 = arith.constant 0 : i32
      %dma_start3A_294 = tpu.memref_slice %arg12[%dma_start3A_292, %dma_start3A_293] : memref<128x128xf32, #tpu.memory_space<vmem>> -> memref<32x128xf32, #tpu.memory_space<vmem>>
      tpu.enqueue_dma source(%dma_start3A_294 : memref<32x128xf32, #tpu.memory_space<vmem>>) target(%dma_start3A_291 : memref<32x128xf32, #tpu.memory_space<hbm>>) target_semaphore(%arg24 : memref<!tpu.dma_semaphore, #tpu.memory_space<semaphore_mem>>)
    } else {
    }
    %mul3A_225 = arith.constant 25 : i32
    %mul3A_226 = arith.muli %add3A, %mul3A_225 : i32
    %add3A_227 = arith.constant 21 : i32
    %add3A_228 = arith.addi %mul3A_226, %add3A_227 : i32
    %lt3A_229 = arith.constant 781 : i32
    %lt3A_230 = arith.cmpi slt, %add3A_228, %lt3A_229 : i32
    %convert_element_type3A_231 = arith.extui %lt3A_230 : i1 to i32
    %cond3A_232 = arith.constant 0 : i32
    %cond3A_233 = arith.cmpi ne, %convert_element_type3A_231, %cond3A_232 : i32
    scf.if %cond3A_233 {
      %mul3A_283 = arith.constant 25 : i32
      %mul3A_284 = arith.muli %add3A, %mul3A_283 : i32
      %add3A_285 = arith.constant 21 : i32
      %add3A_286 = arith.addi %mul3A_284, %add3A_285 : i32
      %mul3A_287 = arith.constant 128 : i32
      %mul3A_288 = arith.muli %add3A_286, %mul3A_287 : i32
      %dma_wait3A_289 = arith.constant 0 : i32
      %dma_wait3A_290 = tpu.memref_slice %arg4[%mul3A_288, %dma_wait3A_289] : memref<100000x128xf32, #tpu.memory_space<hbm>> -> memref<128x128xf32, #tpu.memory_space<hbm>>
      %dma_wait3A_291 = arith.constant 0 : i32
      %dma_wait3A_292 = tpu.memref_slice %arg4[%mul3A_288, %dma_wait3A_291] : memref<100000x128xf32, #tpu.memory_space<hbm>> -> memref<128x128xf32, #tpu.memory_space<hbm>>
      tpu.wait_dma2 semaphore(%arg22 : memref<!tpu.dma_semaphore, #tpu.memory_space<semaphore_mem>>) src(%arg10 : memref<128x128xf32, #tpu.memory_space<vmem>>) dst(%dma_wait3A_292 : memref<128x128xf32, #tpu.memory_space<hbm>>)
    } else {
    }
    %eq3A_234 = arith.constant 781 : i32
    %eq3A_235 = arith.cmpi eq, %add3A_228, %eq3A_234 : i32
    %convert_element_type3A_236 = arith.extui %eq3A_235 : i1 to i32
    %cond3A_237 = arith.constant 0 : i32
    %cond3A_238 = arith.cmpi ne, %convert_element_type3A_236, %cond3A_237 : i32
    scf.if %cond3A_238 {
      %dma_wait3A_283 = arith.constant 0 : i32
      %dma_wait3A_284 = arith.constant 0 : i32
      %dma_wait3A_285 = tpu.memref_slice %arg10[%dma_wait3A_283, %dma_wait3A_284] : memref<128x128xf32, #tpu.memory_space<vmem>> -> memref<32x128xf32, #tpu.memory_space<vmem>>
      %dma_wait3A_286 = arith.constant 99968 : i32
      %dma_wait3A_287 = arith.constant 0 : i32
      %dma_wait3A_288 = tpu.memref_slice %arg4[%dma_wait3A_286, %dma_wait3A_287] : memref<100000x128xf32, #tpu.memory_space<hbm>> -> memref<32x128xf32, #tpu.memory_space<hbm>>
      %dma_wait3A_289 = arith.constant 99968 : i32
      %dma_wait3A_290 = arith.constant 0 : i32
      %dma_wait3A_291 = tpu.memref_slice %arg4[%dma_wait3A_289, %dma_wait3A_290] : memref<100000x128xf32, #tpu.memory_space<hbm>> -> memref<32x128xf32, #tpu.memory_space<hbm>>
      %dma_wait3A_292 = arith.constant 0 : i32
      %dma_wait3A_293 = arith.constant 0 : i32
      %dma_wait3A_294 = tpu.memref_slice %arg10[%dma_wait3A_292, %dma_wait3A_293] : memref<128x128xf32, #tpu.memory_space<vmem>> -> memref<32x128xf32, #tpu.memory_space<vmem>>
      tpu.wait_dma2 semaphore(%arg22 : memref<!tpu.dma_semaphore, #tpu.memory_space<semaphore_mem>>) src(%dma_wait3A_294 : memref<32x128xf32, #tpu.memory_space<vmem>>) dst(%dma_wait3A_291 : memref<32x128xf32, #tpu.memory_space<hbm>>)
    } else {
    }
    %mul3A_239 = arith.constant 25 : i32
    %mul3A_240 = arith.muli %add3A, %mul3A_239 : i32
    %add3A_241 = arith.constant 22 : i32
    %add3A_242 = arith.addi %mul3A_240, %add3A_241 : i32
    %lt3A_243 = arith.constant 781 : i32
    %lt3A_244 = arith.cmpi slt, %add3A_242, %lt3A_243 : i32
    %convert_element_type3A_245 = arith.extui %lt3A_244 : i1 to i32
    %cond3A_246 = arith.constant 0 : i32
    %cond3A_247 = arith.cmpi ne, %convert_element_type3A_245, %cond3A_246 : i32
    scf.if %cond3A_247 {
      %mul3A_283 = arith.constant 25 : i32
      %mul3A_284 = arith.muli %add3A, %mul3A_283 : i32
      %add3A_285 = arith.constant 22 : i32
      %add3A_286 = arith.addi %mul3A_284, %add3A_285 : i32
      %mul3A_287 = arith.constant 128 : i32
      %mul3A_288 = arith.muli %add3A_286, %mul3A_287 : i32
      %dma_wait3A_289 = arith.constant 0 : i32
      %dma_wait3A_290 = tpu.memref_slice %arg4[%mul3A_288, %dma_wait3A_289] : memref<100000x128xf32, #tpu.memory_space<hbm>> -> memref<128x128xf32, #tpu.memory_space<hbm>>
      %dma_wait3A_291 = arith.constant 0 : i32
      %dma_wait3A_292 = tpu.memref_slice %arg4[%mul3A_288, %dma_wait3A_291] : memref<100000x128xf32, #tpu.memory_space<hbm>> -> memref<128x128xf32, #tpu.memory_space<hbm>>
      tpu.wait_dma2 semaphore(%arg23 : memref<!tpu.dma_semaphore, #tpu.memory_space<semaphore_mem>>) src(%arg11 : memref<128x128xf32, #tpu.memory_space<vmem>>) dst(%dma_wait3A_292 : memref<128x128xf32, #tpu.memory_space<hbm>>)
    } else {
    }
    %eq3A_248 = arith.constant 781 : i32
    %eq3A_249 = arith.cmpi eq, %add3A_242, %eq3A_248 : i32
    %convert_element_type3A_250 = arith.extui %eq3A_249 : i1 to i32
    %cond3A_251 = arith.constant 0 : i32
    %cond3A_252 = arith.cmpi ne, %convert_element_type3A_250, %cond3A_251 : i32
    scf.if %cond3A_252 {
      %dma_wait3A_283 = arith.constant 0 : i32
      %dma_wait3A_284 = arith.constant 0 : i32
      %dma_wait3A_285 = tpu.memref_slice %arg11[%dma_wait3A_283, %dma_wait3A_284] : memref<128x128xf32, #tpu.memory_space<vmem>> -> memref<32x128xf32, #tpu.memory_space<vmem>>
      %dma_wait3A_286 = arith.constant 99968 : i32
      %dma_wait3A_287 = arith.constant 0 : i32
      %dma_wait3A_288 = tpu.memref_slice %arg4[%dma_wait3A_286, %dma_wait3A_287] : memref<100000x128xf32, #tpu.memory_space<hbm>> -> memref<32x128xf32, #tpu.memory_space<hbm>>
      %dma_wait3A_289 = arith.constant 99968 : i32
      %dma_wait3A_290 = arith.constant 0 : i32
      %dma_wait3A_291 = tpu.memref_slice %arg4[%dma_wait3A_289, %dma_wait3A_290] : memref<100000x128xf32, #tpu.memory_space<hbm>> -> memref<32x128xf32, #tpu.memory_space<hbm>>
      %dma_wait3A_292 = arith.constant 0 : i32
      %dma_wait3A_293 = arith.constant 0 : i32
      %dma_wait3A_294 = tpu.memref_slice %arg11[%dma_wait3A_292, %dma_wait3A_293] : memref<128x128xf32, #tpu.memory_space<vmem>> -> memref<32x128xf32, #tpu.memory_space<vmem>>
      tpu.wait_dma2 semaphore(%arg23 : memref<!tpu.dma_semaphore, #tpu.memory_space<semaphore_mem>>) src(%dma_wait3A_294 : memref<32x128xf32, #tpu.memory_space<vmem>>) dst(%dma_wait3A_291 : memref<32x128xf32, #tpu.memory_space<hbm>>)
    } else {
    }
    %mul3A_253 = arith.constant 25 : i32
    %mul3A_254 = arith.muli %add3A, %mul3A_253 : i32
    %add3A_255 = arith.constant 23 : i32
    %add3A_256 = arith.addi %mul3A_254, %add3A_255 : i32
    %lt3A_257 = arith.constant 781 : i32
    %lt3A_258 = arith.cmpi slt, %add3A_256, %lt3A_257 : i32
    %convert_element_type3A_259 = arith.extui %lt3A_258 : i1 to i32
    %cond3A_260 = arith.constant 0 : i32
    %cond3A_261 = arith.cmpi ne, %convert_element_type3A_259, %cond3A_260 : i32
    scf.if %cond3A_261 {
      %mul3A_283 = arith.constant 25 : i32
      %mul3A_284 = arith.muli %add3A, %mul3A_283 : i32
      %add3A_285 = arith.constant 23 : i32
      %add3A_286 = arith.addi %mul3A_284, %add3A_285 : i32
      %mul3A_287 = arith.constant 128 : i32
      %mul3A_288 = arith.muli %add3A_286, %mul3A_287 : i32
      %dma_wait3A_289 = arith.constant 0 : i32
      %dma_wait3A_290 = tpu.memref_slice %arg4[%mul3A_288, %dma_wait3A_289] : memref<100000x128xf32, #tpu.memory_space<hbm>> -> memref<128x128xf32, #tpu.memory_space<hbm>>
      %dma_wait3A_291 = arith.constant 0 : i32
      %dma_wait3A_292 = tpu.memref_slice %arg4[%mul3A_288, %dma_wait3A_291] : memref<100000x128xf32, #tpu.memory_space<hbm>> -> memref<128x128xf32, #tpu.memory_space<hbm>>
      tpu.wait_dma2 semaphore(%arg24 : memref<!tpu.dma_semaphore, #tpu.memory_space<semaphore_mem>>) src(%arg12 : memref<128x128xf32, #tpu.memory_space<vmem>>) dst(%dma_wait3A_292 : memref<128x128xf32, #tpu.memory_space<hbm>>)
    } else {
    }
    %eq3A_262 = arith.constant 781 : i32
    %eq3A_263 = arith.cmpi eq, %add3A_256, %eq3A_262 : i32
    %convert_element_type3A_264 = arith.extui %eq3A_263 : i1 to i32
    %cond3A_265 = arith.constant 0 : i32
    %cond3A_266 = arith.cmpi ne, %convert_element_type3A_264, %cond3A_265 : i32
    scf.if %cond3A_266 {
      %dma_wait3A_283 = arith.constant 0 : i32
      %dma_wait3A_284 = arith.constant 0 : i32
      %dma_wait3A_285 = tpu.memref_slice %arg12[%dma_wait3A_283, %dma_wait3A_284] : memref<128x128xf32, #tpu.memory_space<vmem>> -> memref<32x128xf32, #tpu.memory_space<vmem>>
      %dma_wait3A_286 = arith.constant 99968 : i32
      %dma_wait3A_287 = arith.constant 0 : i32
      %dma_wait3A_288 = tpu.memref_slice %arg4[%dma_wait3A_286, %dma_wait3A_287] : memref<100000x128xf32, #tpu.memory_space<hbm>> -> memref<32x128xf32, #tpu.memory_space<hbm>>
      %dma_wait3A_289 = arith.constant 99968 : i32
      %dma_wait3A_290 = arith.constant 0 : i32
      %dma_wait3A_291 = tpu.memref_slice %arg4[%dma_wait3A_289, %dma_wait3A_290] : memref<100000x128xf32, #tpu.memory_space<hbm>> -> memref<32x128xf32, #tpu.memory_space<hbm>>
      %dma_wait3A_292 = arith.constant 0 : i32
      %dma_wait3A_293 = arith.constant 0 : i32
      %dma_wait3A_294 = tpu.memref_slice %arg12[%dma_wait3A_292, %dma_wait3A_293] : memref<128x128xf32, #tpu.memory_space<vmem>> -> memref<32x128xf32, #tpu.memory_space<vmem>>
      tpu.wait_dma2 semaphore(%arg24 : memref<!tpu.dma_semaphore, #tpu.memory_space<semaphore_mem>>) src(%dma_wait3A_294 : memref<32x128xf32, #tpu.memory_space<vmem>>) dst(%dma_wait3A_291 : memref<32x128xf32, #tpu.memory_space<hbm>>)
    } else {
    }
    %dma_wait3A_267 = arith.constant 24 : i32
    %dma_wait3A_268 = arith.constant 0 : i32
    %dma_wait3A_269 = tpu.memref_slice %arg5[%dma_wait3A_267, %dma_wait3A_268] : memref<25x128xi32, #tpu.memory_space<vmem>> -> memref<1x128xi32, #tpu.memory_space<vmem>>
    %dma_wait3A_270 = tpu.memref_squeeze %dma_wait3A_269 : memref<1x128xi32, #tpu.memory_space<vmem>> -> memref<128xi32, #tpu.memory_space<vmem>>
    %dma_wait3A_271 = arith.constant 0 : i32
    %dma_wait3A_272 = arith.constant 0 : i32
    %dma_wait3A_273 = tpu.memref_slice %arg6[%dma_wait3A_271, %dma_wait3A_272] : memref<37x128xf32, #tpu.memory_space<vmem_shared>> -> memref<37x128xf32, #tpu.memory_space<vmem_shared>>
    tpu.wait_indirect_dma semaphore(%arg13 : memref<!tpu.dma_semaphore, #tpu.memory_space<semaphore_mem>>) src(%dma_wait3A_273 : memref<37x128xf32, #tpu.memory_space<vmem_shared>>) dst(%arg7 : memref<128x128xf32, #tpu.memory_space<vmem>>)
    %mul3A_274 = arith.constant 25 : i32
    %mul3A_275 = arith.muli %add3A, %mul3A_274 : i32
    %add3A_276 = arith.constant 24 : i32
    %add3A_277 = arith.addi %add3A_276, %mul3A_275 : i32
    %lt3A_278 = arith.constant 781 : i32
    %lt3A_279 = arith.cmpi slt, %add3A_277, %lt3A_278 : i32
    %convert_element_type3A_280 = arith.extui %lt3A_279 : i1 to i32
    %cond3A_281 = arith.constant 0 : i32
    %cond3A_282 = arith.cmpi ne, %convert_element_type3A_280, %cond3A_281 : i32
    scf.if %cond3A_282 {
      %mul3A_283 = arith.constant 128 : i32
      %mul3A_284 = arith.muli %add3A_277, %mul3A_283 : i32
      "tpu.region"() ({
        %run_scoped3A = tpu.sem_alloc : memref<!tpu.dma_semaphore, #tpu.memory_space<semaphore_mem>>
        %dma_start3A_285 = arith.constant 0 : i32
        %dma_start3A_286 = tpu.memref_slice %arg4[%mul3A_284, %dma_start3A_285] : memref<100000x128xf32, #tpu.memory_space<hbm>> -> memref<128x128xf32, #tpu.memory_space<hbm>>
        %dma_start3A_287 = arith.constant 0 : i32
        %dma_start3A_288 = tpu.memref_slice %arg4[%mul3A_284, %dma_start3A_287] : memref<100000x128xf32, #tpu.memory_space<hbm>> -> memref<128x128xf32, #tpu.memory_space<hbm>>
        tpu.enqueue_dma source(%arg7 : memref<128x128xf32, #tpu.memory_space<vmem>>) target(%dma_start3A_288 : memref<128x128xf32, #tpu.memory_space<hbm>>) target_semaphore(%run_scoped3A : memref<!tpu.dma_semaphore, #tpu.memory_space<semaphore_mem>>)
        %dma_wait3A_289 = arith.constant 0 : i32
        %dma_wait3A_290 = tpu.memref_slice %arg4[%mul3A_284, %dma_wait3A_289] : memref<100000x128xf32, #tpu.memory_space<hbm>> -> memref<128x128xf32, #tpu.memory_space<hbm>>
        %dma_wait3A_291 = arith.constant 0 : i32
        %dma_wait3A_292 = tpu.memref_slice %arg4[%mul3A_284, %dma_wait3A_291] : memref<100000x128xf32, #tpu.memory_space<hbm>> -> memref<128x128xf32, #tpu.memory_space<hbm>>
        tpu.wait_dma2 semaphore(%run_scoped3A : memref<!tpu.dma_semaphore, #tpu.memory_space<semaphore_mem>>) src(%arg7 : memref<128x128xf32, #tpu.memory_space<vmem>>) dst(%dma_wait3A_292 : memref<128x128xf32, #tpu.memory_space<hbm>>)
        tpu.yield
      }) : () -> ()
    } else {
    }
    return
  }
}

module attributes {stable_mosaic.version = 14 : i64} {
  func.func @_table_body(%arg0: memref<16x37xf32, #tpu.memory_space<any>>, %arg1: memref<16x128xf32, #tpu.memory_space<any>>, %arg2: memref<37x128xf32, #tpu.memory_space<any>>, %arg3: memref<128x128xf32, #tpu.memory_space<any>>, %arg4: memref<1x128xf32, #tpu.memory_space<any>>, %arg5: memref<37x128xf32, #tpu.memory_space<vmem>>, %arg6: memref<16x37xf32, #tpu.memory_space<vmem>>, %arg7: memref<16x128xf32, #tpu.memory_space<vmem>>, %arg8: memref<37x128xf32, #tpu.memory_space<vmem>>, %arg9: memref<128x128xf32, #tpu.memory_space<vmem>>, %arg10: memref<1x128xf32, #tpu.memory_space<vmem>>, %arg11: memref<!tpu.dma_semaphore, #tpu.memory_space<semaphore_mem>>) attributes {dimension_semantics = [], scalar_prefetch = 0 : i64, scratch_operands = 6 : i64, tpu.core_type = #tpu.core_type<tc>} {
    tpu.enqueue_dma source(%arg0 : memref<16x37xf32, #tpu.memory_space<any>>) target(%arg6 : memref<16x37xf32, #tpu.memory_space<vmem>>) target_semaphore(%arg11 : memref<!tpu.dma_semaphore, #tpu.memory_space<semaphore_mem>>)
    tpu.enqueue_dma source(%arg1 : memref<16x128xf32, #tpu.memory_space<any>>) target(%arg7 : memref<16x128xf32, #tpu.memory_space<vmem>>) target_semaphore(%arg11 : memref<!tpu.dma_semaphore, #tpu.memory_space<semaphore_mem>>)
    tpu.enqueue_dma source(%arg2 : memref<37x128xf32, #tpu.memory_space<any>>) target(%arg8 : memref<37x128xf32, #tpu.memory_space<vmem>>) target_semaphore(%arg11 : memref<!tpu.dma_semaphore, #tpu.memory_space<semaphore_mem>>)
    tpu.enqueue_dma source(%arg3 : memref<128x128xf32, #tpu.memory_space<any>>) target(%arg9 : memref<128x128xf32, #tpu.memory_space<vmem>>) target_semaphore(%arg11 : memref<!tpu.dma_semaphore, #tpu.memory_space<semaphore_mem>>)
    tpu.enqueue_dma source(%arg4 : memref<1x128xf32, #tpu.memory_space<any>>) target(%arg10 : memref<1x128xf32, #tpu.memory_space<vmem>>) target_semaphore(%arg11 : memref<!tpu.dma_semaphore, #tpu.memory_space<semaphore_mem>>)
    tpu.wait_dma2 semaphore(%arg11 : memref<!tpu.dma_semaphore, #tpu.memory_space<semaphore_mem>>) src(%arg0 : memref<16x37xf32, #tpu.memory_space<any>>) dst(%arg6 : memref<16x37xf32, #tpu.memory_space<vmem>>)
    tpu.wait_dma2 semaphore(%arg11 : memref<!tpu.dma_semaphore, #tpu.memory_space<semaphore_mem>>) src(%arg1 : memref<16x128xf32, #tpu.memory_space<any>>) dst(%arg7 : memref<16x128xf32, #tpu.memory_space<vmem>>)
    tpu.wait_dma2 semaphore(%arg11 : memref<!tpu.dma_semaphore, #tpu.memory_space<semaphore_mem>>) src(%arg2 : memref<37x128xf32, #tpu.memory_space<any>>) dst(%arg8 : memref<37x128xf32, #tpu.memory_space<vmem>>)
    tpu.wait_dma2 semaphore(%arg11 : memref<!tpu.dma_semaphore, #tpu.memory_space<semaphore_mem>>) src(%arg3 : memref<128x128xf32, #tpu.memory_space<any>>) dst(%arg9 : memref<128x128xf32, #tpu.memory_space<vmem>>)
    tpu.wait_dma2 semaphore(%arg11 : memref<!tpu.dma_semaphore, #tpu.memory_space<semaphore_mem>>) src(%arg4 : memref<1x128xf32, #tpu.memory_space<any>>) dst(%arg10 : memref<1x128xf32, #tpu.memory_space<vmem>>)
    %get3A = arith.constant 0 : index
    %get3A_0 = arith.constant 0 : index
    %get3A_1 = vector.load %arg8[%get3A, %get3A_0] : memref<37x128xf32, #tpu.memory_space<vmem>>, vector<37x128xf32>
    %get3A_2 = arith.constant 0 : index
    %get3A_3 = arith.constant 0 : index
    %get3A_4 = vector.load %arg6[%get3A_2, %get3A_3] : memref<16x37xf32, #tpu.memory_space<vmem>>, vector<16x37xf32>
    %get3A_5 = arith.constant 0 : index
    %get3A_6 = arith.constant 0 : index
    %get3A_7 = vector.load %arg7[%get3A_5, %get3A_6] : memref<16x128xf32, #tpu.memory_space<vmem>>, vector<16x128xf32>
    %dot_general3A = arith.constant dense<0.000000e+00> : vector<37x128xf32>
    %dot_general3A_8 = tpu.matmul %get3A_4, %get3A_7, %dot_general3A {dimension_numbers = #tpu.dot_dimension_numbers<[0], [0], [1], [1], [0, 1, 1, 1], [], []>, transpose_lhs_hint = false} : vector<16x37xf32>, vector<16x128xf32>, vector<37x128xf32> -> vector<37x128xf32>
    %add3A = arith.addf %get3A_1, %dot_general3A_8 : vector<37x128xf32>
    %get3A_9 = arith.constant 0 : index
    %get3A_10 = arith.constant 0 : index
    %get3A_11 = vector.load %arg9[%get3A_9, %get3A_10] : memref<128x128xf32, #tpu.memory_space<vmem>>, vector<128x128xf32>
    %dot_general3A_12 = arith.constant dense<0.000000e+00> : vector<37x128xf32>
    %dot_general3A_13 = tpu.matmul %add3A, %get3A_11, %dot_general3A_12 {dimension_numbers = #tpu.dot_dimension_numbers<[1], [1], [0], [0], [0, 0, 1, 0], [], []>, transpose_lhs_hint = false} : vector<37x128xf32>, vector<128x128xf32>, vector<37x128xf32> -> vector<37x128xf32>
    %get3A_14 = arith.constant 0 : index
    %get3A_15 = arith.constant 0 : index
    %get3A_16 = vector.load %arg10[%get3A_14, %get3A_15] : memref<1x128xf32, #tpu.memory_space<vmem>>, vector<1x128xf32>
    %add3A_17 = vector.broadcast %get3A_16 : vector<1x128xf32> to vector<37x128xf32>
    %add3A_18 = arith.addf %dot_general3A_13, %add3A_17 : vector<37x128xf32>
    %logistic3A = arith.negf %add3A_18 : vector<37x128xf32>
    %logistic3A_19 = math.exp %logistic3A : vector<37x128xf32>
    %logistic3A_20 = arith.constant 1.000000e+00 : f32
    %logistic3A_21 = vector.broadcast %logistic3A_20 : f32 to vector<37x128xf32>
    %logistic3A_22 = arith.addf %logistic3A_21, %logistic3A_19 : vector<37x128xf32>
    %logistic3A_23 = arith.divf %logistic3A_21, %logistic3A_22 : vector<37x128xf32>
    %mul3A = arith.mulf %add3A_18, %logistic3A_23 : vector<37x128xf32>
    %swap3A = arith.constant 0 : index
    %swap3A_24 = arith.constant 0 : index
    %swap3A_25 = vector.load %arg5[%swap3A, %swap3A_24] : memref<37x128xf32, #tpu.memory_space<vmem>>, vector<37x128xf32>
    tpu.vector_store %arg5[%swap3A, %swap3A_24], %mul3A {strides = array<i32>} : memref<37x128xf32, #tpu.memory_space<vmem>>, vector<37x128xf32>,
    return
  }
}

</mosaic_0001>

<sc_bundles>
// kernel: kernel.4.cloned.1.call-start
scs
__scs_entry_jumppad:
0x0: {  	(pc) =	sbr.rel $0x88, $3  }
0x1: {  	(tag) =	ssettag $0x0;
	lr =	simm.s32 $0x1  }
0x2: {  	[smem:$0x3F9B] =	sst lr;
	_ =	strace $0xD0000000  }
0x3: {  	_ = 	snop  }
0x4: {  	_ = 	snop  }
0x5: {  	_ = 	snop  }
0x6: {  	_ = 	snop  }
0x7: {  	_ = 	snop  }
__scs_overlays_trampoline_lowered:
0x8: {  	[smem:$0x3FAA] =	sst s0  }
0x9: {  	[smem:$0x3FAB] =	sst s1  }
0xa: {  	[smem:$0x3FAC] =	sst s2  }
0xb: {  	[smem:$0x3FAD] =	sst s3  }
0xc: {  	[smem:$0x3FAE] =	sst s4  }
0xd: {  	[smem:$0x3FAF] =	sst s5  }
0xe: {  	[smem:$0x3FB0] =	sst s6  }
0xf: {  	[smem:$0x3FB1] =	sst s7  }
0x10: {  	[smem:$0x3FB2] =	sst s8  }
0x11: {  	[smem:$0x3FB3] =	sst s9;
	s0 =	simm.s32 @!p0 $0x0  }
0x12: {  	s1 =	sld [smem:$0x3F99];
	s0 =	simm.s32 @p0 $0x1  }
0x13: {  	[smem:$0x3FB4] =	sst s0;
	s0 =	simm.s32 @!p1 $0x0  }
0x14: {  	s2 =	sld [smem:$0x3F98];
	s0 =	simm.s32 @p1 $0x1  }
0x15: {  	[smem:$0x3FB5] =	sst s0;
	s0 =	simm.s32 @!p2 $0x0  }
0x16: {  	s3 =	sld [smem:$0x3FDB];
	s0 =	simm.s32 @p2 $0x1  }
0x17: {  	s4 =	simm.s32 $0x1BF5;
	[smem:$0x3FB7] =	sst s0  }
0x18: {  	s0 =	sld [smem:$0x3F9A];
	_ =	swait.ge [sflag:s4], $0x0  }
0x19: {  	s7 =	sld [smem:$0x3F9B]  }
0x1a: {  	s8 =	sadd.s32 $0xFFFFE003, lr  }
0x1b: {  	s9 =	sadd.s32 $0xFFFFFEF7, lr;
	s5 =	simm.s32 $0xFFFFFFFF;
	p2 =	slt.u32 s8, $0xFFFFF086  }
0x1c: {  	p1 =	slt.u32 s9, $0xF7A;
	s5 =	simm.s32 @!p2 $0x0  }
0x1d: {  	s5 =	simm.s32 @p1 $0x1;
	p0 =	seq.s32 s7, s2  }
0x1e: {  	s7 =	smul.u32 @!p0 $0xF7A, s2;
	p2 =	seq.s32 @!p0 s5, $0x0  }
0x1f: {  	s9 =	smul.u32 $0xF7A, s1;
	s8 =	simm.s32 @!p0 $0x1BF5;
	p2 =	por !p2, p0  }
0x20: {  	[sflag:s8] =	ssyncset.s32 @!p0 $0xFFFFF086;
	s6 =	sadd.s32 @!p0 s3, s7;
	s7 =	simm.s32 @!p0 $0x108  }
0x21: {  	s3 =	sadd.s32 s3, s9;
	s6 =	sadd.s32 @!p0 $0x88, s6;
	s7 =	simm.s32 @p2 $0x1082  }
0x22: {  	[simem:s7], [sflag:s8] =	dma.local @!p0 [hbm:s6], $0xF7A  }
0x23: {  	s9 =	sor.u32 $0xD0000000, s2;
	s6 =	simm.s32 $0x108;
	_ =	swait.ge @!p0 [sflag:s8], $0x0  }
0x24: {  	s3 =	sadd.s32 $0x88, s3;
	s6 =	simm.s32 @!p1 $0x1082;
	[sflag:s4] =	ssyncset.s32 $0xFFFFF086  }
0x25: {  	[simem:s6], [sflag:s4] =	dma.local [hbm:s3], $0xF7A  }
0x26: {  	[smem:$0x3F9B] =	sst s1;
	(tag) =	ssettag s2;
	_ =	strace s9  }
0x27: {  	s1 =	sld [smem:$0x3FAB]  }
0x28: {  	s2 =	sld [smem:$0x3FAC]  }
0x29: {  	s4 =	sld [smem:$0x3FAE]  }
0x2a: {  	p0 =	seq.s32 s5, $0x0;
	s5 =	sld [smem:$0x3FAF]  }
0x2b: {  	s6 =	sld [smem:$0x3FB0]  }
0x2c: {  	s7 =	sld [smem:$0x3FB1]  }
0x2d: {  	s3 =	simm.s32 $0x108;
	s8 =	sld [smem:$0x3FB2]  }
0x2e: {  	s3 =	simm.s32 @!p0 $0x1082;
	s9 =	sld [smem:$0x3FB3]  }
0x2f: {  	lr =	sadd.s32 s0, s3;
	s0 =	sld [smem:$0x3FAA]  }
0x30: {  	s3 =	sld [smem:$0x3FAD]  }
0x31: {  	[smem:$0x3FB6] =	sst s10  }
0x32: {  	s10 =	sld [smem:$0x3FB4];
	_ =	sdelay $0x3  }
0x33: {  	p0 =	seq.s32 s10, $0x1;
	s10 =	sld [smem:$0x3FB6];
	_ =	sdelay $0x3  }
0x34: {  	[smem:$0x3FB6] =	sst s10  }
0x35: {  	s10 =	sld [smem:$0x3FB5];
	_ =	sdelay $0x3  }
0x36: {  	p1 =	seq.s32 s10, $0x1;
	s10 =	sld [smem:$0x3FB6];
	_ =	sdelay $0x3  }
0x37: {  	[smem:$0x3FB6] =	sst s10  }
0x38: {  	s10 =	sld [smem:$0x3FB7]  }
0x39: {  	_ = 	snop;
	(pc) =	sbr.ind lr, $3  }
0x3a: {  	_ = 	snop  }
0x3b: {  	_ = 	snop  }
0x3c: {  	p2 =	seq.s32 s10, $0x1;
	s10 =	sld [smem:$0x3FB6]  }
0x3d: {  	_ =	shalt  }
0x3e: {  	_ =	shalt  }
0x3f: {  	_ =	shalt  }
0x40: {  	_ =	shalt  }
0x41: {  	_ =	shalt  }
0x42: {  	_ =	shalt  }
0x43: {  	_ =	shalt  }
0x44: {  	_ =	shalt  }
0x45: {  	_ =	shalt  }
0x46: {  	_ =	shalt  }
0x47: {  	_ =	shalt  }
0x48: {  	_ =	shalt  }
0x49: {  	_ =	shalt  }
0x4a: {  	_ =	shalt  }
0x4b: {  	_ =	shalt  }
0x4c: {  	_ =	shalt  }
0x4d: {  	_ =	shalt  }
0x4e: {  	_ =	shalt  }
0x4f: {  	_ =	shalt  }
0x50: {  	_ =	shalt  }
0x51: {  	_ =	shalt  }
0x52: {  	_ =	shalt  }
0x53: {  	_ =	shalt  }
0x54: {  	_ =	shalt  }
0x55: {  	_ =	shalt  }
0x56: {  	_ =	shalt  }
0x57: {  	_ =	shalt  }
0x58: {  	_ =	shalt  }
0x59: {  	_ =	shalt  }
0x5a: {  	_ =	shalt  }
0x5b: {  	_ =	shalt  }
0x5c: {  	_ =	shalt  }
0x5d: {  	_ =	shalt  }
0x5e: {  	_ =	shalt  }
0x5f: {  	_ =	shalt  }
0x60: {  	_ =	shalt  }
0x61: {  	_ =	shalt  }
0x62: {  	_ =	shalt  }
0x63: {  	_ =	shalt  }
0x64: {  	_ =	shalt  }
0x65: {  	_ =	shalt  }
0x66: {  	_ =	shalt  }
0x67: {  	_ =	shalt  }
0x68: {  	_ =	shalt  }
0x69: {  	_ =	shalt  }
0x6a: {  	_ =	shalt  }
0x6b: {  	_ =	shalt  }
0x6c: {  	_ =	shalt  }
0x6d: {  	_ =	shalt  }
0x6e: {  	_ =	shalt  }
0x6f: {  	_ =	shalt  }
0x70: {  	_ =	shalt  }
0x71: {  	_ =	shalt  }
0x72: {  	_ =	shalt  }
0x73: {  	_ =	shalt  }
0x74: {  	_ =	shalt  }
0x75: {  	_ =	shalt  }
0x76: {  	_ =	shalt  }
0x77: {  	_ =	shalt  }
0x78: {  	_ =	shalt  }
0x79: {  	_ =	shalt  }
0x7a: {  	_ =	shalt  }
0x7b: {  	_ =	shalt  }
0x7c: {  	_ =	shalt  }
0x7d: {  	_ =	shalt  }
0x7e: {  	_ =	shalt  }
0x7f: {  	_ =	shalt  }
0x80: {  	_ =	shalt  }
0x81: {  	_ =	shalt  }
0x82: {  	_ =	shalt  }
0x83: {  	_ =	shalt  }
0x84: {  	_ =	shalt  }
0x85: {  	_ =	shalt  }
0x86: {  	_ =	shalt  }
0x87: {  	_ =	shalt  }
.Lfunc_end0:
.L_simem_size_0:
called_computation_lowered:
.L_overlay_start_0:
0x88: {  	s2 =	sld [smem:$0x3FD9]  }
0x89: {  	s3 =	sld [smem:$0x3FFE];
	_ =	sdelay $0x1  }
0x8a: {  	s1 =	srdreg.scid  }
0x8b: {  	s0 =	sand.u32 $0x1, s1  }
0x8c: {  	s17 =	sshll.u32 s0, $0xA;
	s2 =	sadd.s32 s3, s2  }
0x8d: {  	s2 =	sadd.s32 s2, s17  }
0x8e: {  	[smem:$0x3FC2] =	sst s2  }
0x8f: {  	_ = 	snop  }
0x90: {  	s2 =	sld [smem:$0x3FD0];
	(tm) =	ssettm $0x1  }
0x91: {  	s18 =	sld [smem:$0x3FFB];
	_ =	sdelay $0x3  }
0x92: {  	_ =	strace s18  }
0x93: {  	s3 =	sld [smem:$0x3FFC];
	_ =	sdelay $0x3  }
0x94: {  	_ =	strace s3  }
0x95: {  	s3 =	sld [smem:$0x3FFD];
	_ =	sdelay $0x3  }
0x96: {  	_ =	strace s3  }
0x97: {  	_ =	strace $0x8FFFFFFF  }
0x98: {  	s19 =	sld [smem:$0x3FDB];
	_ =	sdelay $0x1  }
0x99: {  	s4 =	simm.s32 $_scs_section_size  }
0x9a: {  	s5 =	simm.s32 $_size__tile_overlayer_lowered;
	s6 =	simm.s32 $_tile_overlayer_lowered  }
0x9b: {  	s22 =	simm.s32 $0x1BFF;
	s21 =	sshll.u32 s6, $0x1;
	s3 =	sadd.s32 s4, s19  }
0x9c: {  	s7 =	simm.s32 $0x0;
	s20 =	sshll.u32 s5, $0x1;
	s5 =	sadd.s32 s21, s3  }
0x9d: {  	[timem:s7], [sflag:s22] =	dma.local [hbm:s5], s20  }
0x9e: {  	_ =	swait.ge [sflag:s22], s20  }
0x9f: {  	s4 =	ssub.s32 $0x0, s20;
	[sflag:s22] =	ssyncset.done $0x0  }
0xa0: {  	[sflag:s22] =	ssyncadd.s32 s4;
	_ =	sdelay $0x1  }
0xa1: {  	s23 =	simm.s32 $0x1B8B  }
0xa2: {  	_ =	swait.ge [sflag:s23], $0x1  }
0xa3: {  	[sflag:s23] =	ssyncset.done $0x0  }
0xa4: {  	s25 =	simm.s32 $0x1B8E;
	s24 =	sld [smem:$0x3FFE];
	[sflag:s23] =	ssyncadd.s32 $0xFFFFFFFF  }
0xa5: {  	s26 =	simm.s32 $execute0_lowered;
	[smem:$0x3FD2] =	sst s25  }
0xa6: {  	s5 =	sshll.u32 s26, $0x1;
	_ =	strace $0x80000046;
	[dreg:$0x1] =	wrdreg $0xFFFFFFFF  }
0xa7: {  	s28 =	simm.s32 $_size_execute0_lowered;
	s3 =	sadd.s32 s3, s5;
	[dreg:$0x0] =	wrdreg $0x0  }
0xa8: {  	s5 =	sshll.u32 s28, $0x1;
	[dreg:$0x2] =	wrdreg s3  }
0xa9: {  	[dreg:$0x3] =	wrdreg s5  }
0xaa: {  	[dreg:$0x4] =	wrdreg $0xC0  }
0xab: {  	_ =	task [dreg:s7], $0x5FFFF  }
0xac: {  	[dreg:$0x1] =	wrdreg $0xFFFFFFFF  }
0xad: {  	[dreg:$0x0] =	wrdreg $0x60  }
0xae: {  	[dreg:$0x2] =	wrdreg s24  }
0xaf: {  	[dreg:$0x3] =	wrdreg s2  }
0xb0: {  	[dreg:$0x4] =	wrdreg $0x10000  }
0xb1: {  	[dreg:$0x5] =	wrdreg $0x9  }
0xb2: {  	_ =	task.clear_ibuf [dreg:s7], $0x6FFFF;
	_ =	strace $0x90000046  }
0xb3: {  	s29 =	simm.s32 $0x9;
	_ =	strace $0x80000048  }
0xb4: {  	_ =	swait.ge [sflag:s29], $0x1  }
0xb5: {  	[sflag:s29] =	ssyncadd.s32 $0xFFFFFFFF  }
0xb6: {  	_ =	strace $0x90000048  }
0xb7: {  	_ =	sfence  }
0xb8: {  	s30 =	sld [smem:$0x0];
	_ =	sdelay $0x2  }
0xb9: {  	s31 =	sshll.u32 s1, $0xD;
	s1 =	sshrl.u32 s1, $0x2  }
0xba: {  	s3 =	sand.u32 $0x4000, s31;
	s1 =	sadd.s32 s1, s30  }
0xbb: {  	s0 =	sor.u32 s3, s0;
	s1 =	sshll.u32 s1, $0x11  }
0xbc: {  	s0 =	sor.u32 s1, s0  }
0xbd: {  	s0 =	sadd.s32 $0x8F2B, s0  }
0xbe: {  	[sflag:s0] =	ssyncadd.remote.s32 $0x1  }
0xbf: {  	_ =	sfence.sel $0xFFFF  }
0xc0: {  	[dreg:$0x0] =	wrdreg $0xFFFFFFFF;
	(pc) =	sbr.abs _section_cstart, $3  }
0xc1: {  	[dreg:$0x1] =	wrdreg $0xFFFFFFFF  }
0xc2: {  	_ =	task.clear_ibuf [dreg:s7], $0x2FFFF;
	_ =	strace $0x9FFFFFFF  }
0xc3: {  	(tm) =	ssettm $0x7FFFFFFF  }
tec
execute0_lowered:
.L_overlay_start_1:
0x0: {  	(tag) =	ssettag $0x1  }
0x1: {  	s0 =	rddreg [dreg:$0x0]  }
0x2: {  	s3 =	rddreg [dreg:$0x1]  }
0x3: {  	s1 =	rddreg [dreg:$0x2];
	s2 =	simm.s32 $0x0  }
0x4: {  	s4 =	srdreg.scid;
	s5 =	stileid.u32;
	s21 =	simm.s32 $0x9128  }
0x5: {  	s28 =	simm.s32 $0x2;
	s30 =	simm.s32 $0x15128;
	s23 =	smul.u32 $0x32, s5  }
0x6: {  	s31 =	simm.s32 $0x3;
	s4 =	sand.u32 $0x1, s4;
	s14 =	smul.u32 $0x19000, s5  }
0x7: {  	[smem:$0x7FF] =	sst s2;
	s6 =	sshll.u32 s5, $0x1;
	s12 =	smul.u32 $0x19, s4  }
0x8: {  	s6 =	sor.u32 s4, s6;
	s8 =	ssub.s32 $0x2, s4;
	s4 =	smul.u32 $0xC800, s4  }
0x9: {  	s7 =	sadd.s32 $0x5000, s0;
	p0 =	sne.s32 s5, $0x0;
	s9 =	smul.u32 $0x64000, s6  }
0xa: {  	_ =	strace $0x80000047;
	[dreg:$0x5] =	wrdreg s7;
	s10 =	smul.u32 $0xC800, s6  }
0xb: {  	s16 =	sshll.u32 s6, $0x9;
	s17 =	sshrl.u32 s8, $0x1;
	s11 =	smul.u32 $0x19, s6  }
0xc: {  	s0 =	sadd.s32 s16, s0;
	s7 =	ssub.s32 s8, s17;
	s29 =	sadd.s32 s12, s23  }
0xd: {  	s17 =	simm.s32 $0x80;
	s18 =	sshrl.u32 s9, $0x3;
	s0 =	sadd.s32 $0x1000, s0  }
0xe: {  	s15 =	sadd.s32 s3, s10;
	s20 =	sadd.s32 $0x15, s11;
	[dreg:$0x4] =	wrdreg s29  }
0xf: {  	s24 =	sadd.s32 $0x16, s11;
	s11 =	sadd.s32 $0x17, s11;
	[dreg:$0x6] =	wrdreg s0  }
0x10: {  	s19 =	sadd.s32 s3, s18;
	s22 =	sshll.u32 s20, $0xB;
	s13 =	sshll.u32 s24, $0xB  }
0x11: {  	s25 =	sshll.u32 s11, $0xB;
	s8 =	sadd.s32 $0x800, s19;
	s9 =	sadd.s32 s3, s22  }
0x12: {  	s13 =	sadd.s32 s3, s13;
	[dreg:$0x8] =	wrdreg s8;
	s8 =	sadd.s32 $0x186800, s3  }
0x13: {  	[dreg:$0xb] =	wrdreg s13;
	s13 =	sadd.s32 s3, s25;
	s3 =	sadd.s32 s14, s3  }
0x14: {  	s7 =	smax.u32 s7, $0x1;
	[dreg:$0x7] =	wrdreg s15;
	s3 =	sadd.s32 s4, s3  }
0x15: {  	s23 =	simm.s32 $0xD128;
	[dreg:$0xe] =	wrdreg s7;
	s3 =	sadd.s32 $0x2000, s3  }
0x16: {  	s26 =	sadd.s32 $0xC000, s15;
	[dreg:$0xf] =	wrdreg s3;
	s3 =	simm.s32 @!p0 $0x0  }
0x17: {  	s18 =	simm.s32 $0x1128;
	[dreg:$0xd] =	wrdreg s26;
	s3 =	simm.s32 @p0 $0x1  }
0x18: {  	[smem:$0x7F9] =	sst s3;
	s3 =	sshrl.u32 @!p0 s1, $0x3;
	p0 =	seq.s32 s6, $0x1F  }
0x19: {  	s0 =	sadd.s32 $0x1000, s19;
	[dreg:$0x10] =	wrdreg s3;
	s3 =	simm.s32 @!p0 $0x0  }
0x1a: {  	s19 =	simm.s32 $0x5128;
	s3 =	simm.s32 @p0 $0x1;
	p0 =	sne.s32 s20, $0x30D  }
0x1b: {  	s26 =	simm.s32 $0x11128;
	[dreg:$0x9] =	wrdreg s0;
	s0 =	simm.s32 @!p0 $0x0  }
0x1c: {  	[dreg:$0xa] =	wrdreg s9;
	s0 =	simm.s32 @p0 $0x1;
	p0 =	sne.s32 s24, $0x30D  }
0x1d: {  	s22 =	simm.s32 $0x6;
	[smem:$0x7FB] =	sst s0;
	s0 =	simm.s32 @!p0 $0x0  }
0x1e: {  	[dreg:$0xc] =	wrdreg s13;
	s0 =	simm.s32 @p0 $0x1;
	p0 =	sne.s32 s11, $0x30D  }
0x1f: {  	s25 =	simm.s32 $0x0;
	[smem:$0x7FC] =	sst s0;
	s0 =	simm.s32 @!p0 $0x0  }
0x20: {  	s20 =	simm.s32 $0x5;
	[smem:$0x7FA] =	sst s3;
	s0 =	simm.s32 @p0 $0x1  }
0x21: {  	s24 =	simm.s32 $0x1;
	[smem:$0x7FD] =	sst s0;
	s0 =	simm.s32 $0x4  }
.LBB2_1:
0x22: {  	s12 =	sld [smem:$0x7F9]  }
0x23: {  	s3 =	rddreg [dreg:$0x6]  }
0x24: {  	[tilespmem:s2], [sflag:$0xC] =	stream.linear.gather [hbm4b:s3+s2], $0xC80, $0x38;
	[tilespmem:$0x19128] =	vst v63  }
0x25: {  	s4 =	rddreg [dreg:$0x5];
	p0 =	seq.s32 s12, $0x1  }
0x26: {  	s5 =	rddreg [dreg:$0x10];
	s3 =	simm.s32 @!p0 $0x1C0D  }
0x27: {  	[spmem:s5], [sflag:s3] =	dma.local @!p0 [hbm:s4], $0x250  }
0x28: {  	s3 =	simm.s32 @!p0 $0xD  }
0x29: {  	_ =	swait.ge @!p0 [sflag:s3], $0x250  }
0x2a: {  	[sflag:s3] =	ssyncset.done @!p0 $0x0  }
0x2b: {  	[sflag:s3] =	ssyncadd.s32 @!p0 $0xFFFFFDB0  }
0x2c: {  	s13 =	simm.s32 $0xC;
	[bflag:$0x0] =	sbarrier.arrive $0xFFFF  }
0x2d: {  	_ =	swait.ge [sflag:s13], $0xC80  }
0x2e: {  	[sflag:s13] =	ssyncset.done $0x0  }
0x2f: {  	[sflag:s13] =	ssyncadd.s32 $0xFFFFF380  }
0x30: {  	[tilespmem:s18], [sflag:$0x1] =	stream.indirect.gather [spmem:s1], $0x80, s2, s17, $0xb8;
	[tilespmem:$0x19128] =	vst v63  }
0x31: {  	_ = 	snop  }
0x32: {  	[tilespmem:s19], [sflag:$0x2] =	stream.indirect.gather [spmem:s1], $0x80, s17, s17, $0xb8;
	[tilespmem:$0x19128] =	vst v63  }
0x33: {  	s14 =	simm.s32 $0x100  }
0x34: {  	[tilespmem:s21], [sflag:$0x3] =	stream.indirect.gather [spmem:s1], $0x80, s14, s17, $0xb8;
	[tilespmem:$0x19128] =	vst v63  }
0x35: {  	s15 =	simm.s32 $0x180  }
0x36: {  	[tilespmem:s23], [sflag:$0x4] =	stream.indirect.gather [spmem:s1], $0x80, s15, s17, $0xb8;
	[tilespmem:$0x19128] =	vst v63  }
0x37: {  	_ =	swait.ge [sflag:s24], $0x4000  }
0x38: {  	[sflag:s24] =	ssyncset.done $0x0  }
0x39: {  	s16 =	rddreg [dreg:$0x7];
	[sflag:s24] =	ssyncadd.s32 $0xFFFFC000  }
0x3a: {  	[hbm4b:s16+s2] =	stream.linear.scatter [tilespmem:s18], [sflag:$0x7], $0x4000, $0x38;
	[tilespmem:$0x19128] =	vst v63  }
0x3b: {  	s29 =	simm.s32 $0x200  }
0x3c: {  	[tilespmem:s26], [sflag:$0x5] =	stream.indirect.gather [spmem:s1], $0x80, s29, s17, $0xb8;
	[tilespmem:$0x19128] =	vst v63  }
0x3d: {  	_ =	swait.ge [sflag:s28], $0x4000  }
0x3e: {  	[sflag:s28] =	ssyncset.done $0x0  }
0x3f: {  	s4 =	rddreg [dreg:$0x8];
	[sflag:s28] =	ssyncadd.s32 $0xFFFFC000  }
0x40: {  	[hbm4b:s4+s2] =	stream.linear.scatter [tilespmem:s19], [sflag:$0x8], $0x4000, $0x38;
	[tilespmem:$0x19128] =	vst v63  }
0x41: {  	s5 =	simm.s32 $0x280  }
0x42: {  	[tilespmem:s30], [sflag:$0x6] =	stream.indirect.gather [spmem:s1], $0x80, s5, s17, $0xb8;
	[tilespmem:$0x19128] =	vst v63  }
0x43: {  	_ =	swait.ge [sflag:s31], $0x4000  }
0x44: {  	[sflag:s31] =	ssyncset.done $0x0;
	s6 =	rddreg [dreg:$0x4]  }
0x45: {  	s7 =	rddreg [dreg:$0x9];
	[sflag:s31] =	ssyncadd.s32 $0xFFFFC000;
	s3 =	sadd.s32 $0x0, s6  }
0x46: {  	[hbm4b:s7+s2] =	stream.linear.scatter [tilespmem:s21], [sflag:$0x9], $0x4000, $0x38;
	[tilespmem:$0x19128] =	vst v63  }
0x47: {  	s4 =	sadd.s32 $0xFFFFFCF3, s3;
	p0 =	sgt.u32 s3, $0x30C  }
0x48: {  	p1 =	sne.s32 @p0 s4, $0x0  }
0x49: {  	p1 =	por p1, !p0  }
0x4a: {  	s4 =	simm.s32 @!p1 $0x7  }
0x4b: {  	_ =	swait.ge @!p1 [sflag:s4], $0x1000  }
0x4c: {  	s10 =	simm.s32 $0x300;
	s9 =	sadd.s32 $0x3, s3;
	[sflag:s4] =	ssyncset.done @!p1 $0x0  }
0x4d: {  	s6 =	sadd.s32 $0xFFFFFCF6, s3;
	[sflag:s4] =	ssyncadd.s32 @!p1 $0xFFFFF000;
	s4 =	simm.s32 @!p0 $0x7  }
0x4e: {  	s11 =	sadd.s32 $0x1, s3;
	p2 =	sgt.u32 s9, $0x30C;
	_ =	swait.ge @!p0 [sflag:s4], $0x4000  }
0x4f: {  	p5 =	sgt.u32 s11, $0x30C;
	p3 =	por @p2 $0x0, $0x0;
	[sflag:s4] =	ssyncset.done @!p0 $0x0  }
0x50: {  	p1 =	sne.s32 @p2 s6, $0x0;
	[sflag:s4] =	ssyncadd.s32 @!p0 $0xFFFFC000;
	s4 =	simm.s32 @!p5 $0x0  }
0x51: {  	[tilespmem:s18], [sflag:$0x1] =	stream.indirect.gather [spmem:s1], $0x80, s10, s17, $0xb8;
	[tilespmem:$0x19128] =	vst v63  }
0x52: {  	p0 =	por p1, !p2;
	s4 =	simm.s32 @p5 $0x1;
	_ =	swait.ge [sflag:s0], $0x4000  }
0x53: {  	s5 =	simm.s32 @!p0 $0xD128;
	[smem:$0x7F5] =	sst s4;
	[sflag:s0] =	ssyncset.done $0x0  }
0x54: {  	s4 =	simm.s32 @!p0 $0x0;
	s16 =	rddreg [dreg:$0xf];
	[sflag:s0] =	ssyncadd.s32 $0xFFFFC000  }
0x55: {  	[hbm4b:s8+s4] =	stream.linear.scatter @!p0 [tilespmem:s5], [sflag:$0xA], $0x1000, $0x38;
	[tilespmem:$0x19128] =	vst v63  }
0x56: {  	s6 =	simm.s32 @!p2 $0x0;
	s4 =	simm.s32 @!p2 $0xD128;
	s5 =	sadd.s32 @!p2 $0xFFFFF800, s16  }
0x57: {  	[hbm4b:s5+s6] =	stream.linear.scatter @!p2 [tilespmem:s4], [sflag:$0xA], $0x4000, $0x38;
	[tilespmem:$0x19128] =	vst v63  }
0x58: {  	s4 =	simm.s32 @!p3 $0x0  }
0x59: {  	s4 =	simm.s32 @p3 $0x1  }
0x5a: {  	[smem:$0x7F1] =	sst s4  }
0x5b: {  	s12 =	sadd.s32 $0x4, s3;
	s13 =	sld [smem:$0x7F1]  }
0x5c: {  	p6 =	por !p1, !p2;
	p1 =	sgt.u32 s12, $0x30C  }
0x5d: {  	p4 =	por @!p0 $0x1, $0x1;
	s6 =	sadd.s32 $0xFFFFFCF7, s3;
	s4 =	simm.s32 @!p2 $0x0  }
0x5e: {  	p3 =	sne.s32 @p1 s6, $0x0;
	s4 =	simm.s32 @p2 $0x1;
	p2 =	seq.s32 s13, $0x1  }
0x5f: {  	p4 =	por @!p6 p2, p2;
	p2 =	por !p3, !p1  }
0x60: {  	[smem:$0x7F0] =	sst s4;
	s4 =	simm.s32 @!p2 $0x0  }
0x61: {  	s4 =	simm.s32 @p2 $0x1  }
0x62: {  	[smem:$0x7F4] =	sst s4;
	s4 =	simm.s32 @!p1 $0x0  }
0x63: {  	p6 =	por p3, !p1;
	s4 =	simm.s32 @p1 $0x1;
	p1 =	por @p1 $0x0, $0x0  }
0x64: {  	[smem:$0x7F2] =	sst s4;
	s4 =	simm.s32 @!p1 $0x0  }
0x65: {  	s4 =	simm.s32 @p1 $0x1  }
0x66: {  	[smem:$0x7F3] =	sst s4  }
0x67: {  	s5 =	sadd.s32 $0xFFFFFCF4, s3;
	s4 =	sld [smem:$0x7F3]  }
0x68: {  	p0 =	sne.s32 @p5 s5, $0x0  }
0x69: {  	p0 =	por p0, !p5  }
0x6a: {  	p2 =	seq.s32 s4, $0x1;
	s4 =	simm.s32 @!p0 $0x8  }
0x6b: {  	s14 =	sld [smem:$0x7F4];
	_ =	swait.ge @!p0 [sflag:s4], $0x1000  }
0x6c: {  	s15 =	sld [smem:$0x7F5];
	_ =	sdelay $0x1  }
0x6d: {  	p1 =	por @!p6 $0x1, $0x1;
	p5 =	seq.s32 s14, $0x1  }
0x6e: {  	p1 =	por @!p5 p2, p2;
	[sflag:s4] =	ssyncset.done @!p0 $0x0;
	p2 =	seq.s32 s15, $0x1  }
0x6f: {  	[sflag:s4] =	ssyncadd.s32 @!p0 $0xFFFFF000;
	s4 =	simm.s32 @!p2 $0x8  }
0x70: {  	_ =	swait.ge @!p2 [sflag:s4], $0x4000  }
0x71: {  	s29 =	sadd.s32 $0x8, s3;
	[sflag:s4] =	ssyncset.done @!p2 $0x0  }
0x72: {  	s5 =	simm.s32 $0x380;
	[sflag:s4] =	ssyncadd.s32 @!p2 $0xFFFFC000;
	p2 =	sgt.u32 s29, $0x30C  }
0x73: {  	[tilespmem:s19], [sflag:$0x2] =	stream.indirect.gather [spmem:s1], $0x80, s5, s17, $0xb8;
	[tilespmem:$0x19128] =	vst v63  }
0x74: {  	s4 =	simm.s32 @!p2 $0x0  }
0x75: {  	_ =	swait.ge [sflag:s20], $0x4000;
	s4 =	simm.s32 @p2 $0x1  }
0x76: {  	[smem:$0x7F7] =	sst s4  }
0x77: {  	s4 =	sld [smem:$0x7F7];
	_ =	sdelay $0x2  }
0x78: {  	s14 =	sadd.s32 $0xFFFFFCFB, s3;
	p2 =	seq.s32 s4, $0x1  }
0x79: {  	p2 =	sne.s32 @p2 s14, $0x0  }
0x7a: {  	s4 =	simm.s32 @!p2 $0x0  }
0x7b: {  	s29 =	sld [smem:$0x7F7];
	s4 =	simm.s32 @p2 $0x1  }
0x7c: {  	s7 =	simm.s32 $0x6;
	[smem:$0x7F6] =	sst s4  }
0x7d: {  	s11 =	sadd.s32 $0x5, s3;
	s9 =	sadd.s32 $0x7, s3;
	s4 =	sld [smem:$0x7F6]  }
0x7e: {  	s12 =	sadd.s32 $0x2, s3;
	s10 =	sadd.s32 $0xFFFFFCF9, s3;
	s6 =	simm.s32 $0x580  }
0x7f: {  	s13 =	sadd.s32 $0xFFFFFCF5, s3;
	p0 =	sgt.u32 s12, $0x30C;
	s12 =	simm.s32 @!p6 $0x0  }
0x80: {  	p5 =	sne.s32 @p0 s13, $0x0;
	p3 =	seq.s32 s29, $0x1;
	p2 =	seq.s32 s4, $0x1  }
0x81: {  	s15 =	simm.s32 @!p0 $0x9;
	p5 =	por p5, !p0;
	p2 =	por p2, !p3  }
0x82: {  	s13 =	simm.s32 @!p5 $0x9;
	[sflag:s20] =	ssyncset.done $0x0;
	s4 =	simm.s32 @!p2 $0x0  }
0x83: {  	s5 =	simm.s32 @!p6 $0x11128;
	[sflag:s20] =	ssyncadd.s32 $0xFFFFC000;
	s4 =	simm.s32 @p2 $0x1  }
0x84: {  	s14 =	smov.u32 s16;
	[smem:$0x7F8] =	sst s4;
	s4 =	simm.s32 $0x580  }
.LBB2_2:
0x85: {  	s29 =	sld [smem:$0x7F2]  }
0x86: {  	[hbm4b:s8+s12] =	stream.linear.scatter @!p6 [tilespmem:s5], [sflag:$0xB], $0x1000, $0x38;
	[tilespmem:$0x19128] =	vst v63  }
0x87: {  	s16 =	simm.s32 @!p1 $0x0;
	s12 =	smov.u32 s7;
	s7 =	sadd.s32 $0x6, s7  }
0x88: {  	s16 =	simm.s32 @p1 $0x1;
	p2 =	sne.s32 s7, $0x12;
	p1 =	seq.s32 s29, $0x1  }
0x89: {  	[smem:$0x7EB] =	sst s16;
	s16 =	simm.s32 @!p1 $0x0;
	s29 =	simm.s32 @!p1 $0x11128  }
0x8a: {  	[hbm4b:s14+s16] =	stream.linear.scatter @!p1 [tilespmem:s29], [sflag:$0xB], $0x4000, $0x38;
	[tilespmem:$0x19128] =	vst v63  }
0x8b: {  	s16 =	simm.s32 @!p2 $0x0  }
0x8c: {  	s16 =	simm.s32 @p2 $0x1  }
0x8d: {  	[smem:$0x7EF] =	sst s16  }
0x8e: {  	_ =	swait.ge @!p5 [sflag:s13], $0x1000  }
0x8f: {  	[sflag:s13] =	ssyncset.done @!p5 $0x0  }
0x90: {  	[sflag:s13] =	ssyncadd.s32 @!p5 $0xFFFFF000  }
0x91: {  	_ =	swait.ge @!p0 [sflag:s15], $0x4000  }
0x92: {  	s29 =	sadd.s32 $0xFFFFFE80, s4;
	s16 =	sld [smem:$0x7F0];
	[sflag:s15] =	ssyncset.done @!p0 $0x0  }
0x93: {  	[sflag:s15] =	ssyncadd.s32 @!p0 $0xFFFFC000;
	s15 =	sadd.s32 $0xFFFFFCF8, s3;
	p0 =	sgt.u32 s11, $0x30C  }
0x94: {  	[tilespmem:s21], [sflag:$0x3] =	stream.indirect.gather [spmem:s1], $0x80, s29, s17, $0xb8;
	[tilespmem:$0x19128] =	vst v63  }
0x95: {  	p5 =	sne.s32 @p0 s15, $0x0  }
0x96: {  	p2 =	seq.s32 s16, $0x1;
	p6 =	por p5, !p0;
	p5 =	por !p5, !p0  }
0x97: {  	_ =	swait.ge [sflag:s22], $0x4000;
	s16 =	simm.s32 @!p0 $0x15128;
	s13 =	simm.s32 @!p5 $0x0  }
0x98: {  	[sflag:s22] =	ssyncset.done $0x0;
	s15 =	simm.s32 @!p6 $0x15128;
	s13 =	simm.s32 @p5 $0x1  }
0x99: {  	[sflag:s22] =	ssyncadd.s32 $0xFFFFC000;
	[smem:$0x7EA] =	sst s13;
	s13 =	simm.s32 @!p6 $0x0  }
0x9a: {  	[hbm4b:s8+s13] =	stream.linear.scatter @!p6 [tilespmem:s15], [sflag:$0xC], $0x1000, $0x38;
	[tilespmem:$0x19128] =	vst v63  }
0x9b: {  	s11 =	simm.s32 @!p2 $0xA;
	s13 =	sadd.s32 @!p0 $0x800, s14;
	s15 =	simm.s32 @!p0 $0x0  }
0x9c: {  	[hbm4b:s13+s15] =	stream.linear.scatter @!p0 [tilespmem:s16], [sflag:$0xC], $0x4000, $0x38;
	[tilespmem:$0x19128] =	vst v63  }
0x9d: {  	p5 =	por @!p2 $0x0, $0x0;
	_ =	swait.ge @!p2 [sflag:s11], $0x4000  }
0x9e: {  	p4 =	por @!p2 p5, p5;
	[sflag:s11] =	ssyncset.done @!p2 $0x0  }
0x9f: {  	[sflag:s11] =	ssyncadd.s32 @!p2 $0xFFFFC000;
	s11 =	simm.s32 @p4 $0xA  }
0xa0: {  	s15 =	sld [smem:$0x7EA];
	_ =	swait.ge @p4 [sflag:s11], $0x1000  }
0xa1: {  	s5 =	smov.u32 s14;
	s16 =	sadd.s32 $0x6, s3;
	[sflag:s11] =	ssyncset.done @p4 $0x0  }
0xa2: {  	s29 =	sadd.s32 $0xFFFFFF00, s4;
	p2 =	sgt.u32 s16, $0x30C;
	[sflag:s11] =	ssyncadd.s32 @p4 $0xFFFFF000  }
0xa3: {  	[tilespmem:s23], [sflag:$0x4] =	stream.indirect.gather [spmem:s1], $0x80, s29, s17, $0xb8;
	[tilespmem:$0x19128] =	vst v63  }
0xa4: {  	p5 =	seq.s32 s15, $0x1;
	p4 =	sne.s32 @p2 s10, $0x0;
	_ =	swait.ge [sflag:s24], $0x4000  }
0xa5: {  	s15 =	simm.s32 @!p1 $0xB;
	p4 =	por p4, !p2;
	[sflag:s24] =	ssyncset.done $0x0  }
0xa6: {  	s11 =	simm.s32 @!p4 $0x0;
	s13 =	simm.s32 @!p4 $0x1128;
	[sflag:s24] =	ssyncadd.s32 $0xFFFFC000  }
0xa7: {  	[hbm4b:s8+s11] =	stream.linear.scatter @!p4 [tilespmem:s13], [sflag:$0x7], $0x1000, $0x38;
	[tilespmem:$0x19128] =	vst v63  }
0xa8: {  	s10 =	simm.s32 @!p2 $0x1128;
	s11 =	sadd.s32 @!p2 $0x1000, s5;
	s13 =	simm.s32 @!p2 $0x0  }
0xa9: {  	[hbm4b:s11+s13] =	stream.linear.scatter @!p2 [tilespmem:s10], [sflag:$0x7], $0x4000, $0x38;
	[tilespmem:$0x19128] =	vst v63  }
0xaa: {  	_ =	swait.ge @!p1 [sflag:s15], $0x4000  }
0xab: {  	s13 =	sld [smem:$0x7EB];
	_ =	sdelay $0x1  }
0xac: {  	p3 =	por @p0 $0x0, $0x0;
	p6 =	por @!p6 $0x1, $0x1  }
0xad: {  	p6 =	por @!p5 p3, p3;
	p2 =	por @!p1 $0x0, $0x0;
	p3 =	seq.s32 s13, $0x1  }
0xae: {  	[sflag:s15] =	ssyncset.done @!p1 $0x0;
	p3 =	por @!p1 p2, p2  }
0xaf: {  	[sflag:s15] =	ssyncadd.s32 @!p1 $0xFFFFC000;
	s10 =	simm.s32 @p3 $0xB  }
0xb0: {  	_ =	swait.ge @p3 [sflag:s10], $0x1000  }
0xb1: {  	s3 =	sadd.s32 $0xFFFFFCFA, s3;
	[sflag:s10] =	ssyncset.done @p3 $0x0  }
0xb2: {  	s16 =	sadd.s32 $0xFFFFFF80, s4;
	p1 =	sgt.u32 s9, $0x30C;
	[sflag:s10] =	ssyncadd.s32 @p3 $0xFFFFF000  }
0xb3: {  	[tilespmem:s26], [sflag:$0x5] =	stream.indirect.gather [spmem:s1], $0x80, s16, s17, $0xb8;
	[tilespmem:$0x19128] =	vst v63  }
0xb4: {  	p2 =	sne.s32 @p1 s3, $0x0;
	_ =	swait.ge [sflag:s28], $0x4000  }
0xb5: {  	s11 =	simm.s32 @!p0 $0xC;
	p2 =	por p2, !p1;
	[sflag:s28] =	ssyncset.done $0x0  }
0xb6: {  	s9 =	simm.s32 @!p2 $0x0;
	s10 =	simm.s32 @!p2 $0x5128;
	[sflag:s28] =	ssyncadd.s32 $0xFFFFC000  }
0xb7: {  	[hbm4b:s8+s9] =	stream.linear.scatter @!p2 [tilespmem:s10], [sflag:$0x8], $0x1000, $0x38;
	[tilespmem:$0x19128] =	vst v63  }
0xb8: {  	s3 =	simm.s32 @!p1 $0x5128;
	s9 =	sadd.s32 @!p1 $0x1800, s5;
	s10 =	simm.s32 @!p1 $0x0  }
0xb9: {  	[hbm4b:s9+s10] =	stream.linear.scatter @!p1 [tilespmem:s3], [sflag:$0x8], $0x4000, $0x38;
	[tilespmem:$0x19128] =	vst v63  }
0xba: {  	p1 =	por @!p0 $0x0, $0x0;
	_ =	swait.ge @!p0 [sflag:s11], $0x4000  }
0xbb: {  	p6 =	por @!p0 p1, p1;
	[sflag:s11] =	ssyncset.done @!p0 $0x0  }
0xbc: {  	s3 =	simm.s32 @p6 $0xC;
	[sflag:s11] =	ssyncadd.s32 @!p0 $0xFFFFC000  }
0xbd: {  	_ =	swait.ge @p6 [sflag:s3], $0x1000  }
0xbe: {  	[sflag:s3] =	ssyncset.done @p6 $0x0  }
0xbf: {  	[sflag:s3] =	ssyncadd.s32 @p6 $0xFFFFF000  }
0xc0: {  	[tilespmem:s30], [sflag:$0x6] =	stream.indirect.gather [spmem:s1], $0x80, s4, s17, $0xb8;
	[tilespmem:$0x19128] =	vst v63  }
0xc1: {  	_ =	swait.ge [sflag:s31], $0x4000  }
0xc2: {  	s29 =	rddreg [dreg:$0x4]  }
0xc3: {  	s11 =	sld [smem:$0x7F7]  }
0xc4: {  	[sflag:s31] =	ssyncset.done $0x0;
	s15 =	sld [smem:$0x7F8]  }
0xc5: {  	[sflag:s31] =	ssyncadd.s32 $0xFFFFC000;
	s3 =	sadd.s32 s12, s29  }
0xc6: {  	s12 =	sadd.s32 $0x1, s3;
	s16 =	sadd.s32 $0x3, s3;
	s29 =	sadd.s32 $0xFFFFFCF6, s3  }
0xc7: {  	p2 =	seq.s32 s11, $0x1;
	p0 =	seq.s32 s15, $0x1;
	p6 =	sgt.u32 s16, $0x30C  }
0xc8: {  	s9 =	simm.s32 @!p2 $0x9128;
	s10 =	simm.s32 @!p0 $0x0;
	s11 =	simm.s32 @!p0 $0x9128  }
0xc9: {  	[hbm4b:s8+s10] =	stream.linear.scatter @!p0 [tilespmem:s11], [sflag:$0x9], $0x1000, $0x38;
	[tilespmem:$0x19128] =	vst v63  }
0xca: {  	s5 =	sadd.s32 @!p2 $0x2000, s5;
	s11 =	sadd.s32 $0xFFFFFCF3, s3;
	p0 =	sgt.u32 s3, $0x30C  }
0xcb: {  	p5 =	sne.s32 @p6 s29, $0x0;
	s10 =	simm.s32 @!p2 $0x0;
	p1 =	sne.s32 @p0 s11, $0x0  }
0xcc: {  	[hbm4b:s5+s10] =	stream.linear.scatter @!p2 [tilespmem:s9], [sflag:$0x9], $0x4000, $0x38;
	[tilespmem:$0x19128] =	vst v63  }
0xcd: {  	p4 =	por p1, !p0;
	p1 =	sgt.u32 s12, $0x30C;
	s9 =	sadd.s32 $0xFFFFFCF4, s3  }
0xce: {  	p3 =	por p5, !p6;
	s12 =	simm.s32 @!p4 $0x7;
	p2 =	sne.s32 @p1 s9, $0x0  }
0xcf: {  	p5 =	por !p5, !p6;
	_ =	swait.ge @!p4 [sflag:s12], $0x1000;
	s9 =	simm.s32 @!p2 $0x0  }
0xd0: {  	s5 =	simm.s32 @!p0 $0x7;
	[sflag:s12] =	ssyncset.done @!p4 $0x0;
	s9 =	simm.s32 @p2 $0x1  }
0xd1: {  	p2 =	por @p6 $0x0, $0x0;
	[sflag:s12] =	ssyncadd.s32 @!p4 $0xFFFFF000;
	p4 =	por @!p3 $0x1, $0x1  }
0xd2: {  	s6 =	sadd.s32 $0x300, s6;
	_ =	swait.ge @!p0 [sflag:s5], $0x4000;
	p4 =	por @!p5 p2, p2  }
0xd3: {  	s16 =	sadd.s32 $0xFFFFFD80, s6;
	[smem:$0x7EC] =	sst s9;
	s9 =	simm.s32 @!p4 $0x0  }
0xd4: {  	s29 =	sadd.s32 $0x8, s3;
	[sflag:s5] =	ssyncset.done @!p0 $0x0;
	s9 =	simm.s32 @p4 $0x1  }
0xd5: {  	[sflag:s5] =	ssyncadd.s32 @!p0 $0xFFFFC000;
	p0 =	sgt.u32 s29, $0x30C;
	[smem:$0x7EE] =	sst s9  }
0xd6: {  	[tilespmem:s18], [sflag:$0x1] =	stream.indirect.gather [spmem:s1], $0x80, s16, s17, $0xb8;
	[tilespmem:$0x19128] =	vst v63  }
0xd7: {  	s5 =	simm.s32 @!p0 $0x0;
	_ =	swait.ge [sflag:s0], $0x4000  }
0xd8: {  	s29 =	simm.s32 @!p3 $0xD128;
	s5 =	simm.s32 @p0 $0x1;
	[sflag:s0] =	ssyncset.done $0x0  }
0xd9: {  	[smem:$0x7F7] =	sst s5;
	s5 =	simm.s32 @!p3 $0x0;
	[sflag:s0] =	ssyncadd.s32 $0xFFFFC000  }
0xda: {  	[hbm4b:s8+s5] =	stream.linear.scatter @!p3 [tilespmem:s29], [sflag:$0xA], $0x1000, $0x38;
	[tilespmem:$0x19128] =	vst v63  }
0xdb: {  	[smem:$0x7ED] =	sst s2  }
0xdc: {  	s2 =	sld [smem:$0x7EC];
	_ =	sdelay $0x2  }
0xdd: {  	p5 =	seq.s32 s2, $0x1;
	s2 =	sld [smem:$0x7ED];
	_ =	sdelay $0x2  }
0xde: {  	[smem:$0x7ED] =	sst s2;
	s2 =	simm.s32 @!p6 $0x0  }
0xdf: {  	s2 =	simm.s32 @p6 $0x1  }
0xe0: {  	s14 =	sadd.s32 $0x3000, s14;
	s16 =	simm.s32 @!p6 $0xD128;
	[smem:$0x7F0] =	sst s2  }
0xe1: {  	s5 =	sadd.s32 @!p6 $0xFFFFF800, s14;
	s29 =	simm.s32 @!p6 $0x0;
	s2 =	sld [smem:$0x7ED]  }
0xe2: {  	[hbm4b:s5+s29] =	stream.linear.scatter @!p6 [tilespmem:s16], [sflag:$0xA], $0x4000, $0x38;
	[tilespmem:$0x19128] =	vst v63  }
0xe3: {  	p3 =	por p5, !p1;
	s29 =	sadd.s32 $0x4, s3  }
0xe4: {  	s5 =	simm.s32 @!p3 $0x8;
	p0 =	sgt.u32 s29, $0x30C  }
0xe5: {  	_ =	swait.ge @!p3 [sflag:s5], $0x1000;
	s29 =	simm.s32 @!p0 $0x0  }
0xe6: {  	[sflag:s5] =	ssyncset.done @!p3 $0x0;
	s29 =	simm.s32 @p0 $0x1  }
0xe7: {  	[sflag:s5] =	ssyncadd.s32 @!p3 $0xFFFFF000;
	s5 =	simm.s32 @!p1 $0x8;
	[smem:$0x7F2] =	sst s29  }
0xe8: {  	_ =	swait.ge @!p1 [sflag:s5], $0x4000  }
0xe9: {  	s13 =	sadd.s32 $0xFFFFFE00, s6;
	s15 =	sadd.s32 $0x2, s3;
	[sflag:s5] =	ssyncset.done @!p1 $0x0  }
0xea: {  	p4 =	sgt.u32 s15, $0x30C;
	s16 =	sadd.s32 $0xFFFFFCF5, s3;
	[sflag:s5] =	ssyncadd.s32 @!p1 $0xFFFFC000  }
0xeb: {  	[tilespmem:s19], [sflag:$0x2] =	stream.indirect.gather [spmem:s1], $0x80, s13, s17, $0xb8;
	[tilespmem:$0x19128] =	vst v63  }
0xec: {  	p5 =	sne.s32 @p4 s16, $0x0;
	s16 =	sadd.s32 $0xFFFFFCF7, s3;
	_ =	swait.ge [sflag:s20], $0x4000  }
0xed: {  	p2 =	sne.s32 @p0 s16, $0x0;
	s29 =	sld [smem:$0x7F7]  }
0xee: {  	p6 =	por p2, !p0  }
0xef: {  	p3 =	por @p0 $0x0, $0x0;
	p2 =	por !p2, !p0;
	p1 =	por @!p6 $0x1, $0x1  }
0xf0: {  	p1 =	por @!p2 p3, p3;
	p3 =	seq.s32 s29, $0x1;
	s29 =	sld [smem:$0x7EE]  }
0xf1: {  	s12 =	sadd.s32 $0xFFFFFCFB, s3  }
0xf2: {  	s15 =	simm.s32 @!p4 $0x9;
	p5 =	por p5, !p4;
	p0 =	por p4, p4  }
0xf3: {  	p2 =	sne.s32 @p3 s12, $0x0;
	p4 =	seq.s32 s29, $0x1;
	s29 =	sld [smem:$0x7EF]  }
0xf4: {  	p2 =	por p2, !p3  }
0xf5: {  	s16 =	simm.s32 @!p2 $0x0  }
0xf6: {  	s16 =	simm.s32 @p2 $0x1;
	p2 =	seq.s32 s29, $0x1  }
.Ltmp0:
0xf7: {  	_ = 	snop;
	(pc) =	sbr.rel @p2 .LBB2_2-.Ltmp0, $4  }
0xf8: {  	s4 =	smov.u32 s6  }
0xf9: {  	s11 =	sadd.s32 $0x5, s3;
	s10 =	sadd.s32 $0xFFFFFCF9, s3;
	s9 =	sadd.s32 $0x7, s3  }
0xfa: {  	s5 =	simm.s32 @!p6 $0x11128;
	s13 =	simm.s32 @!p5 $0x9;
	[sflag:s20] =	ssyncset.done $0x0  }
0xfb: {  	[sflag:s20] =	ssyncadd.s32 $0xFFFFC000;
	s12 =	simm.s32 @!p6 $0x0;
	[smem:$0x7F8] =	sst s16  }
0xfc: {  	[hbm4b:s8+s12] =	stream.linear.scatter @!p6 [tilespmem:s5], [sflag:$0xB], $0x1000, $0x38;
	[tilespmem:$0x19128] =	vst v63  }
0xfd: {  	s12 =	sld [smem:$0x7F2];
	_ =	sdelay $0x2  }
0xfe: {  	p3 =	seq.s32 s12, $0x1  }
0xff: {  	s5 =	simm.s32 @!p3 $0x0;
	s6 =	simm.s32 @!p3 $0x11128  }
0x100: {  	[hbm4b:s14+s5] =	stream.linear.scatter @!p3 [tilespmem:s6], [sflag:$0xB], $0x4000, $0x38;
	[tilespmem:$0x19128] =	vst v63  }
0x101: {  	_ =	swait.ge @!p5 [sflag:s13], $0x1000  }
0x102: {  	[sflag:s13] =	ssyncset.done @!p5 $0x0  }
0x103: {  	[sflag:s13] =	ssyncadd.s32 @!p5 $0xFFFFF000  }
0x104: {  	_ =	swait.ge @!p0 [sflag:s15], $0x4000  }
0x105: {  	s6 =	sadd.s32 $0xFFFFFCF8, s3;
	[sflag:s15] =	ssyncset.done @!p0 $0x0  }
0x106: {  	s13 =	sadd.s32 $0xFFFFFE80, s4;
	[sflag:s15] =	ssyncadd.s32 @!p0 $0xFFFFC000;
	p0 =	sgt.u32 s11, $0x30C  }
0x107: {  	[tilespmem:s21], [sflag:$0x3] =	stream.indirect.gather [spmem:s1], $0x80, s13, s17, $0xb8;
	[tilespmem:$0x19128] =	vst v63  }
0x108: {  	p2 =	sne.s32 @p0 s6, $0x0  }
0x109: {  	s7 =	simm.s32 @!p0 $0x15128;
	s5 =	simm.s32 @!p2 $0x0  }
0x10a: {  	_ =	swait.ge [sflag:s22], $0x4000;
	p6 =	por p2, !p0;
	s5 =	simm.s32 @p2 $0x1  }
0x10b: {  	[sflag:s22] =	ssyncset.done $0x0;
	s6 =	simm.s32 @!p6 $0x15128;
	s15 =	sld [smem:$0x7F0]  }
0x10c: {  	[smem:$0x7E9] =	sst s5;
	[sflag:s22] =	ssyncadd.s32 $0xFFFFC000;
	s5 =	simm.s32 @!p6 $0x0  }
0x10d: {  	[hbm4b:s8+s5] =	stream.linear.scatter @!p6 [tilespmem:s6], [sflag:$0xC], $0x1000, $0x38;
	[tilespmem:$0x19128] =	vst v63  }
0x10e: {  	s5 =	sadd.s32 @!p0 $0x800, s14;
	s6 =	simm.s32 @!p0 $0x0;
	p5 =	seq.s32 s15, $0x1  }
0x10f: {  	[hbm4b:s5+s6] =	stream.linear.scatter @!p0 [tilespmem:s7], [sflag:$0xC], $0x4000, $0x38;
	[tilespmem:$0x19128] =	vst v63  }
0x110: {  	s5 =	simm.s32 @!p5 $0xA  }
0x111: {  	p2 =	por @!p5 $0x0, $0x0;
	_ =	swait.ge @!p5 [sflag:s5], $0x4000  }
0x112: {  	p4 =	por @!p5 p2, p2;
	[sflag:s5] =	ssyncset.done @!p5 $0x0  }
0x113: {  	[sflag:s5] =	ssyncadd.s32 @!p5 $0xFFFFC000;
	s5 =	simm.s32 @p4 $0xA  }
0x114: {  	_ =	swait.ge @p4 [sflag:s5], $0x1000  }
0x115: {  	s16 =	sadd.s32 $0x6, s3;
	[sflag:s5] =	ssyncset.done @p4 $0x0  }
0x116: {  	s29 =	sadd.s32 $0xFFFFFF00, s4;
	p2 =	sgt.u32 s16, $0x30C;
	[sflag:s5] =	ssyncadd.s32 @p4 $0xFFFFF000  }
0x117: {  	[tilespmem:s23], [sflag:$0x4] =	stream.indirect.gather [spmem:s1], $0x80, s29, s17, $0xb8;
	[tilespmem:$0x19128] =	vst v63  }
0x118: {  	p4 =	sne.s32 @p2 s10, $0x0;
	_ =	swait.ge [sflag:s24], $0x4000  }
0x119: {  	p4 =	por p4, !p2;
	[sflag:s24] =	ssyncset.done $0x0  }
0x11a: {  	s5 =	simm.s32 @!p4 $0x0;
	s6 =	simm.s32 @!p4 $0x1128;
	[sflag:s24] =	ssyncadd.s32 $0xFFFFC000  }
0x11b: {  	[hbm4b:s8+s5] =	stream.linear.scatter @!p4 [tilespmem:s6], [sflag:$0x7], $0x1000, $0x38;
	[tilespmem:$0x19128] =	vst v63  }
0x11c: {  	s7 =	simm.s32 @!p2 $0x0;
	s5 =	simm.s32 @!p2 $0x1128;
	s6 =	sadd.s32 @!p2 $0x1000, s14  }
0x11d: {  	[hbm4b:s6+s7] =	stream.linear.scatter @!p2 [tilespmem:s5], [sflag:$0x7], $0x4000, $0x38;
	[tilespmem:$0x19128] =	vst v63  }
0x11e: {  	s5 =	simm.s32 @!p3 $0xB  }
0x11f: {  	p2 =	por @!p3 $0x0, $0x0;
	_ =	swait.ge @!p3 [sflag:s5], $0x4000  }
0x120: {  	p1 =	por @!p3 p2, p2;
	[sflag:s5] =	ssyncset.done @!p3 $0x0  }
0x121: {  	[sflag:s5] =	ssyncadd.s32 @!p3 $0xFFFFC000;
	s5 =	simm.s32 @p1 $0xB  }
0x122: {  	_ =	swait.ge @p1 [sflag:s5], $0x1000  }
0x123: {  	s3 =	sadd.s32 $0xFFFFFCFA, s3;
	s7 =	sadd.s32 $0xFFFFFF80, s4;
	[sflag:s5] =	ssyncset.done @p1 $0x0  }
0x124: {  	p3 =	por @!p6 $0x1, $0x1;
	[sflag:s5] =	ssyncadd.s32 @p1 $0xFFFFF000;
	p1 =	sgt.u32 s9, $0x30C  }
0x125: {  	[tilespmem:s26], [sflag:$0x5] =	stream.indirect.gather [spmem:s1], $0x80, s7, s17, $0xb8;
	[tilespmem:$0x19128] =	vst v63  }
0x126: {  	p2 =	sne.s32 @p1 s3, $0x0;
	s6 =	simm.s32 @!p1 $0x0;
	_ =	swait.ge [sflag:s28], $0x4000  }
0x127: {  	p2 =	por p2, !p1;
	[sflag:s28] =	ssyncset.done $0x0;
	s10 =	sld [smem:$0x7E9]  }
0x128: {  	s3 =	simm.s32 @!p2 $0x0;
	s5 =	simm.s32 @!p2 $0x5128;
	[sflag:s28] =	ssyncadd.s32 $0xFFFFC000  }
0x129: {  	[hbm4b:s8+s3] =	stream.linear.scatter @!p2 [tilespmem:s5], [sflag:$0x8], $0x1000, $0x38;
	[tilespmem:$0x19128] =	vst v63  }
0x12a: {  	s3 =	simm.s32 @!p1 $0x5128;
	s5 =	sadd.s32 @!p1 $0x1800, s14;
	p5 =	seq.s32 s10, $0x1  }
0x12b: {  	[hbm4b:s5+s6] =	stream.linear.scatter @!p1 [tilespmem:s3], [sflag:$0x8], $0x4000, $0x38;
	[tilespmem:$0x19128] =	vst v63  }
0x12c: {  	p2 =	por @p0 $0x0, $0x0;
	p1 =	por !p5, !p0;
	s3 =	simm.s32 @!p0 $0xC  }
0x12d: {  	p3 =	por @!p1 p2, p2;
	p1 =	por @!p0 $0x0, $0x0;
	_ =	swait.ge @!p0 [sflag:s3], $0x4000  }
0x12e: {  	p3 =	por @!p0 p1, p1;
	[sflag:s3] =	ssyncset.done @!p0 $0x0  }
0x12f: {  	[sflag:s3] =	ssyncadd.s32 @!p0 $0xFFFFC000;
	s3 =	simm.s32 @p3 $0xC  }
0x130: {  	_ =	swait.ge @p3 [sflag:s3], $0x1000  }
0x131: {  	[sflag:s3] =	ssyncset.done @p3 $0x0  }
0x132: {  	[sflag:s3] =	ssyncadd.s32 @p3 $0xFFFFF000  }
0x133: {  	[tilespmem:s30], [sflag:$0x6] =	stream.indirect.gather [spmem:s1], $0x80, s4, s17, $0xb8;
	[tilespmem:$0x19128] =	vst v63  }
0x134: {  	_ =	swait.ge [sflag:s31], $0x4000  }
0x135: {  	s11 =	sld [smem:$0x7F8];
	_ =	sdelay $0x1  }
0x136: {  	s12 =	sld [smem:$0x7F7]  }
0x137: {  	[sflag:s31] =	ssyncset.done $0x0;
	s13 =	sld [smem:$0x7FA];
	p0 =	seq.s32 s11, $0x1  }
0x138: {  	[sflag:s31] =	ssyncadd.s32 $0xFFFFC000;
	s3 =	simm.s32 @!p0 $0x0;
	s4 =	simm.s32 @!p0 $0x9128  }
0x139: {  	[hbm4b:s8+s3] =	stream.linear.scatter @!p0 [tilespmem:s4], [sflag:$0x9], $0x1000, $0x38;
	[tilespmem:$0x19128] =	vst v63  }
0x13a: {  	p1 =	seq.s32 s13, $0x1;
	p0 =	seq.s32 s12, $0x1  }
0x13b: {  	s3 =	simm.s32 @!p0 $0x9128;
	s4 =	sadd.s32 @!p0 $0x2000, s14;
	s5 =	simm.s32 @!p0 $0x0  }
0x13c: {  	[hbm4b:s4+s5] =	stream.linear.scatter @!p0 [tilespmem:s3], [sflag:$0x9], $0x4000, $0x38;
	[tilespmem:$0x19128] =	vst v63  }
0x13d: {  	s3 =	simm.s32 @p1 $0x80;
	s4 =	simm.s32 @p1 $0xC00;
	s5 =	simm.s32 @p1 $0x1128  }
0x13e: {  	[tilespmem:s5], [sflag:$0x1] =	stream.indirect.gather @p1 [spmem:s1], $0x80, s4, s3, $0xb8;
	[tilespmem:$0x19128] =	vst v63  }
0x13f: {  	s3 =	simm.s32 @p1 $0x4  }
0x140: {  	_ =	swait.ge @p1 [sflag:s3], $0x4000  }
0x141: {  	[sflag:s3] =	ssyncset.done @p1 $0x0  }
0x142: {  	[sflag:s3] =	ssyncadd.s32 @p1 $0xFFFFC000;
	s3 =	simm.s32 @!p1 $0x7  }
0x143: {  	_ =	swait.ge @!p1 [sflag:s3], $0x4000  }
0x144: {  	s4 =	simm.s32 @!p1 $0x80;
	[sflag:s3] =	ssyncset.done @!p1 $0x0  }
0x145: {  	s5 =	simm.s32 @!p1 $0xC00;
	[sflag:s3] =	ssyncadd.s32 @!p1 $0xFFFFC000;
	s3 =	simm.s32 @!p1 $0x1128  }
0x146: {  	[tilespmem:s3], [sflag:$0x1] =	stream.indirect.gather @!p1 [spmem:s1], $0x80, s5, s4, $0xb8;
	[tilespmem:$0x19128] =	vst v63  }
0x147: {  	s4 =	simm.s32 @!p1 $0x4  }
0x148: {  	_ =	swait.ge @!p1 [sflag:s4], $0x4000  }
0x149: {  	s5 =	simm.s32 @!p1 $0xD128;
	[sflag:s4] =	ssyncset.done @!p1 $0x0;
	s14 =	sld [smem:$0x7FB]  }
0x14a: {  	s6 =	rddreg [dreg:$0xa];
	[sflag:s4] =	ssyncadd.s32 @!p1 $0xFFFFC000;
	s4 =	simm.s32 @!p1 $0x0  }
0x14b: {  	[hbm4b:s6+s4] =	stream.linear.scatter @!p1 [tilespmem:s5], [sflag:$0xA], $0x4000, $0x38;
	[tilespmem:$0x19128] =	vst v63  }
0x14c: {  	p0 =	seq.s32 s14, $0x1  }
0x14d: {  	s5 =	simm.s32 @!p0 $0x0;
	s6 =	simm.s32 @!p0 $0xD128  }
0x14e: {  	[hbm4b:s8+s5] =	stream.linear.scatter @!p0 [tilespmem:s6], [sflag:$0xA], $0x1000, $0x38;
	[tilespmem:$0x19128] =	vst v63  }
0x14f: {  	s5 =	simm.s32 @p1 $0x5  }
0x150: {  	_ =	swait.ge @p1 [sflag:s5], $0x4000  }
0x151: {  	[sflag:s5] =	ssyncset.done @p1 $0x0  }
0x152: {  	[sflag:s5] =	ssyncadd.s32 @p1 $0xFFFFC000;
	s5 =	simm.s32 @!p1 $0x8  }
0x153: {  	_ =	swait.ge @!p1 [sflag:s5], $0x4000  }
0x154: {  	[sflag:s5] =	ssyncset.done @!p1 $0x0  }
0x155: {  	[sflag:s5] =	ssyncadd.s32 @!p1 $0xFFFFC000;
	s5 =	simm.s32 @!p1 $0x5  }
0x156: {  	_ =	swait.ge @!p1 [sflag:s5], $0x4000  }
0x157: {  	[sflag:s5] =	ssyncset.done @!p1 $0x0;
	s15 =	sld [smem:$0x7FC]  }
0x158: {  	s6 =	rddreg [dreg:$0xb];
	[sflag:s5] =	ssyncadd.s32 @!p1 $0xFFFFC000;
	s5 =	simm.s32 @!p1 $0x11128  }
0x159: {  	[hbm4b:s6+s4] =	stream.linear.scatter @!p1 [tilespmem:s5], [sflag:$0xB], $0x4000, $0x38;
	[tilespmem:$0x19128] =	vst v63  }
0x15a: {  	p2 =	seq.s32 s15, $0x1  }
0x15b: {  	s5 =	simm.s32 @!p2 $0x0;
	s6 =	simm.s32 @!p2 $0x11128  }
0x15c: {  	[hbm4b:s8+s5] =	stream.linear.scatter @!p2 [tilespmem:s6], [sflag:$0xB], $0x1000, $0x38;
	[tilespmem:$0x19128] =	vst v63  }
0x15d: {  	s5 =	simm.s32 @p1 $0x6  }
0x15e: {  	_ =	swait.ge @p1 [sflag:s5], $0x4000  }
0x15f: {  	[sflag:s5] =	ssyncset.done @p1 $0x0  }
0x160: {  	[sflag:s5] =	ssyncadd.s32 @p1 $0xFFFFC000;
	s5 =	simm.s32 @!p1 $0x9  }
0x161: {  	_ =	swait.ge @!p1 [sflag:s5], $0x4000  }
0x162: {  	[sflag:s5] =	ssyncset.done @!p1 $0x0  }
0x163: {  	[sflag:s5] =	ssyncadd.s32 @!p1 $0xFFFFC000;
	s5 =	simm.s32 @!p1 $0x6  }
0x164: {  	_ =	swait.ge @!p1 [sflag:s5], $0x4000  }
0x165: {  	[sflag:s5] =	ssyncset.done @!p1 $0x0;
	s16 =	sld [smem:$0x7FD]  }
0x166: {  	s6 =	rddreg [dreg:$0xc];
	[sflag:s5] =	ssyncadd.s32 @!p1 $0xFFFFC000;
	s5 =	simm.s32 @!p1 $0x15128  }
0x167: {  	[hbm4b:s6+s4] =	stream.linear.scatter @!p1 [tilespmem:s5], [sflag:$0xC], $0x4000, $0x38;
	[tilespmem:$0x19128] =	vst v63  }
0x168: {  	p3 =	seq.s32 s16, $0x1  }
0x169: {  	s5 =	simm.s32 @!p3 $0x0;
	s6 =	simm.s32 @!p3 $0x15128  }
0x16a: {  	[hbm4b:s8+s5] =	stream.linear.scatter @!p3 [tilespmem:s6], [sflag:$0xC], $0x1000, $0x38;
	[tilespmem:$0x19128] =	vst v63  }
0x16b: {  	s5 =	simm.s32 @!p1 $0xA  }
0x16c: {  	_ =	swait.ge @!p1 [sflag:s5], $0x4000  }
0x16d: {  	[sflag:s5] =	ssyncset.done @!p1 $0x0  }
0x16e: {  	[sflag:s5] =	ssyncadd.s32 @!p1 $0xFFFFC000;
	s5 =	simm.s32 @!p0 $0xA  }
0x16f: {  	_ =	swait.ge @!p0 [sflag:s5], $0x1000  }
0x170: {  	[sflag:s5] =	ssyncset.done @!p0 $0x0  }
0x171: {  	[sflag:s5] =	ssyncadd.s32 @!p0 $0xFFFFF000;
	s5 =	simm.s32 @!p1 $0xB  }
0x172: {  	_ =	swait.ge @!p1 [sflag:s5], $0x4000  }
0x173: {  	[sflag:s5] =	ssyncset.done @!p1 $0x0  }
0x174: {  	[sflag:s5] =	ssyncadd.s32 @!p1 $0xFFFFC000;
	s5 =	simm.s32 @!p2 $0xB  }
0x175: {  	_ =	swait.ge @!p2 [sflag:s5], $0x1000  }
0x176: {  	[sflag:s5] =	ssyncset.done @!p2 $0x0  }
0x177: {  	[sflag:s5] =	ssyncadd.s32 @!p2 $0xFFFFF000;
	s5 =	simm.s32 @!p1 $0xC  }
0x178: {  	_ =	swait.ge @!p1 [sflag:s5], $0x4000  }
0x179: {  	[sflag:s5] =	ssyncset.done @!p1 $0x0  }
0x17a: {  	[sflag:s5] =	ssyncadd.s32 @!p1 $0xFFFFC000;
	s5 =	simm.s32 @!p3 $0xC  }
0x17b: {  	_ =	swait.ge @!p3 [sflag:s5], $0x1000  }
0x17c: {  	[sflag:s5] =	ssyncset.done @!p3 $0x0  }
0x17d: {  	[sflag:s5] =	ssyncadd.s32 @!p3 $0xFFFFF000  }
0x17e: {  	_ =	swait.ge [sflag:s24], $0x4000  }
0x17f: {  	[sflag:s24] =	ssyncset.done $0x0  }
0x180: {  	s5 =	rddreg [dreg:$0xd];
	[sflag:s24] =	ssyncadd.s32 $0xFFFFC000  }
0x181: {  	[hbm4b:s5+s4] =	stream.linear.scatter @!p1 [tilespmem:s3], [sflag:$0xD], $0x4000, $0x38;
	[tilespmem:$0x19128] =	vst v63  }
0x182: {  	s3 =	simm.s32 @!p1 $0xD  }
0x183: {  	_ =	swait.ge @!p1 [sflag:s3], $0x4000  }
0x184: {  	s25 =	sadd.s32 $0x1, s25;
	s29 =	rddreg [dreg:$0xe]  }
0x185: {  	p0 =	sne.s32 s25, s29  }
.Ltmp1:
0x186: {  	_ = 	snop;
	(pc) =	sbr.rel @p0 .LBB2_1-.Ltmp1, $3  }
0x187: {  	_ =	sdelay $0x1  }
0x188: {  	[sflag:s3] =	ssyncset.done @!p1 $0x0  }
0x189: {  	[sflag:s3] =	ssyncadd.s32 @!p1 $0xFFFFC000  }
0x18a: {  	_ =	sfence.sel $0x180000  }
0x18b: {  	[bflag:$0x0] =	sbarrier.arrive $0xFFFF  }
0x18c: {  	_ =	strace $0x90000047  }
0x18d: {  	[bflag:$0x2] =	sbarrier.arrive $0xFFFF  }
0x18e: {  	s1 =	sld [smem:$0x7F9];
	_ =	sdelay $0x2  }
0x18f: {  	s0 =	rddreg [dreg:$0x3];
	p0 =	seq.s32 s1, $0x1  }
0x190: {  	s0 =	sadd.s32 @!p0 $0x100000, s0  }
0x191: {  	[sflag:s0] =	ssyncadd.tile.s32 @!p0 $0x1;
	_ =	shalt  }
.Lfunc_end2:
_tile_overlayer_lowered:
.L_overlay_start_2:
0x192: {  	(tag) =	ssettag $0x2  }
0x193: {  	s0 =	rddreg [dreg:$0x0];
	s2 =	stileid.u32  }
0x194: {  	s1 =	rddreg [dreg:$0x1];
	p0 =	sne.s32 s2, $0x0  }
0x195: {  	s3 =	rddreg [dreg:$0x2];
	[bflag:$0x3] =	sbarrier.arrive $0xFFFF;
	s2 =	simm.s32 @!p0 $0x1C0D  }
0x196: {  	[timem:s3], [sflag:s2] =	dma.local @!p0 [hbm:s0], s1  }
0x197: {  	s0 =	simm.s32 @!p0 $0xD  }
0x198: {  	_ =	swait.ge @!p0 [sflag:s0], s1  }
0x199: {  	s1 =	ssub.s32 @!p0 $0x0, s1;
	[sflag:s0] =	ssyncset.done @!p0 $0x0  }
0x19a: {  	[sflag:s0] =	ssyncadd.s32 @!p0 s1  }
0x19b: {  	[bflag:$0x3] =	sbarrier.arrive $0xFFFF  }
0x19c: {  	_ =	shalt  }

</sc_bundles>
